<compile_context>
chip_gen: v7x
topology: tpu7x:2x2x1
jax: 0.10.2.dev20260603
libtpu: 0.0.44.dev20260713+nightly
codegen_flags: <defaults>
</compile_context>

<pallas_src>
import functools

import jax
import jax.numpy as jnp
from jax import lax
from jax.experimental import pallas as pl
from jax.experimental.pallas import tpu as pltpu
from jax.experimental.pallas import tpu_sc as plsc

_N = 16384
_C = 128
_NC = 2
_NS = 16
_NW = _NC * _NS
_ROWS_PER_W = _N // _NW
_CHUNK = 256
_LANES = 16

_sc_mesh = plsc.VectorSubcoreMesh(core_axis_name="c", subcore_axis_name="s",
                                  num_cores=_NC, num_subcores=_NS)


_NCH = _ROWS_PER_W // _CHUNK


@functools.partial(
    pl.kernel,
    out_type=jax.ShapeDtypeStruct((2, _N, _C), jnp.float32),
    mesh=_sc_mesh,
    scratch_types=[
        pltpu.VMEM((_CHUNK,), jnp.int32),
        pltpu.VMEM((_CHUNK,), jnp.int32),
        pltpu.VMEM((_CHUNK,), jnp.int32),
        pltpu.VMEM((_CHUNK, _C), jnp.float32),
        pltpu.VMEM((_CHUNK, _C), jnp.float32),
        pltpu.VMEM((_CHUNK, _C), jnp.float32),
        pltpu.VMEM((_C,), jnp.float32),
        pltpu.VMEM((_C,), jnp.float32),
        pltpu.VMEM((2, _C), jnp.float32),
        pltpu.SemaphoreType.DMA,
        pltpu.SemaphoreType.DMA,
        pltpu.SemaphoreType.DMA,
        pltpu.SemaphoreType.DMA,
        pltpu.SemaphoreType.DMA,
        pltpu.SemaphoreType.DMA,
    ],
    compiler_params=pltpu.CompilerParams(use_tc_tiling_on_sc=True),
)
def _sc_cat(users_idx, items_idx, users_emb, items_emb, ucol, icol, temb,
            out, idx0, idx1, idx2, rows0, rows1, rows2, col0_v, col1_v, temb_v,
            g0, g1, g2, s0, s1, s2):
    wid = lax.axis_index("s") * _NC + lax.axis_index("c")
    pltpu.sync_copy(ucol, col0_v)
    pltpu.sync_copy(icol, col1_v)
    pltpu.sync_copy(temb, temb_v)
    base = wid * _ROWS_PER_W
    idx_b = (idx0, idx1, idx2)
    rows_b = (rows0, rows1, rows2)
    gsem = (g0, g1, g2)
    ssem = (s0, s1, s2)

    slots = [(t, ch) for t in range(2) for ch in range(_NCH)]
    nslots = len(slots)
    col_b = (col0_v, col1_v)
    bias_regs = [
        [col_b[t][pl.ds(cc * _LANES, _LANES)]
         + temb_v[t, pl.ds(cc * _LANES, _LANES)]
         for cc in range(_C // _LANES)]
        for t in range(2)
    ]

    def _start_gather(s):
        t, ch = slots[s]
        p = s % 3
        idx_hbm = users_idx if t == 0 else items_idx
        emb = users_emb if t == 0 else items_emb
        r0 = base + ch * _CHUNK
        pltpu.sync_copy(idx_hbm.at[0, pl.ds(r0, _CHUNK)], idx_b[p])
        return pltpu.async_copy(emb.at[idx_b[p]], rows_b[p], gsem[p])

    pending_scatter = [None, None, None]
    gather = {0: _start_gather(0)}
    if nslots > 1:
        gather[1] = _start_gather(1)
    for s in range(nslots):
        t, ch = slots[s]
        p = s % 3
        if s + 2 < nslots:
            q = (s + 2) % 3
            if pending_scatter[q] is not None:
                pending_scatter[q].wait()
                pending_scatter[q] = None
            gather[s + 2] = _start_gather(s + 2)
        gather[s].wait()
        rows_v = rows_b[p]
        regs = bias_regs[t]

        def _add_bias(r, carry):
            for cc in range(_C // _LANES):
                sl = pl.ds(cc * _LANES, _LANES)
                plsc.addupdate(rows_v.at[r, sl], regs[cc])
            return carry

        lax.fori_loop(0, _CHUNK, _add_bias, 0, unroll=2)
        out_r0 = base + ch * _CHUNK
        pending_scatter[p] = pltpu.async_copy(
            rows_v, out.at[t, pl.ds(out_r0, _CHUNK)], ssem[p])
    for p in range(3):
        if pending_scatter[p] is not None:
            pending_scatter[p].wait()


_BR = 4096
_NI = _N // _BR
_BRN = 8192
_NIN = _N // _BRN


def _text_body_first(text, w, bias, out_ref):
    lhs_t = text[:, 0, :]
    acc = jax.lax.dot_general(lhs_t, w[...],
                              dimension_numbers=(((0,), (0,)), ((), ())),
                              preferred_element_type=jnp.float32)
    out_ref[...] = acc + bias[0, :][None, :]


def _text_body(buf, text, w, bias, out_ref):
    del buf
    _text_body_first(text, w, bias, out_ref)


_text_users = pl.pallas_call(
    _text_body_first,
    grid=(_NI,),
    in_specs=[
        pl.BlockSpec((300, 1, _BR), lambda i: (0, 0, i)),
        pl.BlockSpec((300, _C), lambda i: (0, 0)),
        pl.BlockSpec((1, _C), lambda i: (0, 0)),
    ],
    out_specs=pl.BlockSpec((_BR, _C), lambda i: (2 * _NI + i, 0)),
    out_shape=jax.ShapeDtypeStruct((6 * _N, _C), jnp.float32),
)

_text_items = pl.pallas_call(
    _text_body,
    grid=(_NI,),
    in_specs=[
        pl.BlockSpec(memory_space=pl.ANY),
        pl.BlockSpec((300, 1, _BR), lambda i: (0, 0, i)),
        pl.BlockSpec((300, _C), lambda i: (0, 0)),
        pl.BlockSpec((1, _C), lambda i: (0, 0)),
    ],
    out_specs=pl.BlockSpec((_BR, _C), lambda i: (5 * _NI + i, 0)),
    out_shape=jax.ShapeDtypeStruct((6 * _N, _C), jnp.float32),
    input_output_aliases={0: 0},
)

_BC = 8192
_NIC = _N // _BC


def _inject_body(buf, cat, out_ref):
    del buf
    out_ref[...] = cat[0, :, :]


_inject_call = pl.pallas_call(
    _inject_body,
    grid=(2, _NIC),
    in_specs=[
        pl.BlockSpec(memory_space=pl.ANY),
        pl.BlockSpec((1, _BC, _C), lambda t, i: (t, i, 0)),
    ],
    out_specs=pl.BlockSpec((_BC, _C), lambda t, i: ((1 + 3 * t) * _NIC + i, 0)),
    out_shape=jax.ShapeDtypeStruct((6 * _N, _C), jnp.float32),
    input_output_aliases={0: 0},
)


def _num_body(buf, num, w, b_in, b_out, out_ref):
    del buf
    x = num[0, 0, :]
    z = x[:, None] * w[0, 0, :][None, :] + b_in[0, 0, :][None, :]
    sig = 1.0 / (1.0 + jnp.exp(-z))
    out_ref[...] = z * sig + b_out[0, 0, :][None, :]


_num_call = pl.pallas_call(
    _num_body,
    grid=(2, _NIN),
    in_specs=[
        pl.BlockSpec(memory_space=pl.ANY),
        pl.BlockSpec((1, 1, _BRN), lambda t, i: (t, 0, i)),
        pl.BlockSpec((1, 1, _C), lambda t, i: (t, 0, 0)),
        pl.BlockSpec((1, 1, _C), lambda t, i: (t, 0, 0)),
        pl.BlockSpec((1, 1, _C), lambda t, i: (t, 0, 0)),
    ],
    out_specs=pl.BlockSpec((_BRN, _C), lambda t, i: (t * 3 * _NIN + i, 0)),
    out_shape=jax.ShapeDtypeStruct((6 * _N, _C), jnp.float32),
    input_output_aliases={0: 0},
)


def kernel(users_num, users_cat, users_text, items_num, items_cat, items_text, table_emb,
           users_num_W, users_num_b, users_num_col, users_cat_emb, users_cat_col,
           users_text_W, users_text_b, users_text_col,
           items_num_W, items_num_b, items_num_col, items_cat_emb, items_cat_col,
           items_text_W, items_text_b, items_text_col):
    temb0 = table_emb[0]
    temb1 = table_emb[1]
    cat_buf = _sc_cat(jnp.transpose(users_cat), jnp.transpose(items_cat),
                      users_cat_emb, items_cat_emb,
                      users_cat_col, items_cat_col, table_emb)

    x = _text_users(jnp.transpose(users_text, (2, 1, 0)), users_text_W,
                    (users_text_b + users_text_col + temb0).reshape(1, _C))
    x = _text_items(x, jnp.transpose(items_text, (2, 1, 0)), items_text_W,
                    (items_text_b + items_text_col + temb1).reshape(1, _C))
    num2 = jnp.stack([users_num[:, 0], items_num[:, 0]]).reshape(2, 1, _N)
    nw2 = jnp.stack([users_num_W, items_num_W])
    nb2 = jnp.stack([users_num_b, items_num_b]).reshape(2, 1, _C)
    nbias2 = jnp.stack([users_num_col + temb0,
                        items_num_col + temb1]).reshape(2, 1, _C)
    x = _num_call(x, num2, nw2, nb2, nbias2)
    x = _inject_call(x, cat_buf)

    ar = jnp.arange(_N, dtype=jnp.int32)
    node = jnp.concatenate([ar, ar, ar, ar + _N, ar + _N, ar + _N])
    col = jnp.repeat(jnp.arange(6, dtype=jnp.int32), _N)
    table = jnp.repeat(jnp.arange(2, dtype=jnp.int32), 3 * _N)
    return x, node, col, table

# --- scband reference (transcript-rebuilt; emitter-appended) ---
"""Pipeline reference for scband-rtembedding-72808285601943 (READ-ONLY COPY).

The authoritative reference and input builder live on the scoring server;
editing this copy changes nothing except your own understanding.
"""

import jax, jax.numpy as jnp
import numpy as np

C = 128
N = 16384
NUM_CATS = 100000
VOCAB = NUM_CATS + 1
TEXT_DIM = 300
TABLES = ['users', 'items']

def silu(x):
    return x * jax.nn.sigmoid(x)

def setup_inputs(seed: int = 0):
    key = jax.random.key(seed)
    ks = jax.random.split(key, 32)
    inp = {}
    i = 0
    for t in TABLES:
        inp[t + '_num'] = jax.random.normal(ks[i], (N, 1), dtype=jnp.float32); i += 1
        inp[t + '_cat'] = jax.random.randint(ks[i], (N, 1), 0, NUM_CATS); i += 1
        inp[t + '_text'] = jax.random.normal(ks[i], (N, 1, TEXT_DIM), dtype=jnp.float32); i += 1
    inp['table_emb'] = jax.random.normal(ks[i], (len(TABLES), C), dtype=jnp.float32) * 0.02; i += 1
    for t in TABLES:
        inp[t + '_num_W'] = jax.random.normal(ks[i], (1, C), dtype=jnp.float32) * 0.05; i += 1
        inp[t + '_num_b'] = jnp.zeros((C,), dtype=jnp.float32)
        inp[t + '_num_col'] = jax.random.normal(ks[i], (C,), dtype=jnp.float32); i += 1
        inp[t + '_cat_emb'] = jax.random.normal(ks[i], (VOCAB, C), dtype=jnp.float32) * 0.02; i += 1
        inp[t + '_cat_col'] = jax.random.normal(ks[i], (C,), dtype=jnp.float32); i += 1
        inp[t + '_text_W'] = jax.random.normal(ks[i], (TEXT_DIM, C), dtype=jnp.float32) * 0.05; i += 1
        inp[t + '_text_b'] = jnp.zeros((C,), dtype=jnp.float32)
        inp[t + '_text_col'] = jax.random.normal(ks[i], (C,), dtype=jnp.float32); i += 1
    return inp

def _forward(users_num, users_cat, users_text, items_num, items_cat, items_text, table_emb,
             users_num_W, users_num_b, users_num_col, users_cat_emb, users_cat_col,
             users_text_W, users_text_b, users_text_col,
             items_num_W, items_num_b, items_num_col, items_cat_emb, items_cat_col,
             items_text_W, items_text_b, items_text_col):
    per_table = [
        (users_num, users_cat, users_text, users_num_W, users_num_b, users_num_col,
         users_cat_emb, users_cat_col, users_text_W, users_text_b, users_text_col),
        (items_num, items_cat, items_text, items_num_W, items_num_b, items_num_col,
         items_cat_emb, items_cat_col, items_text_W, items_text_b, items_text_col),
    ]
    tokens, node_idxs, table_idxs, col_idxs = [], [], [], []
    offset, c = 0, 0
    for t_idx, (num, cat, text, nW, nb, ncol, cemb, ccol, tW, tb, tcol) in enumerate(per_table):
        t_emb = table_emb[t_idx]
        n = num.shape[0]
        # numerical column: Sequential(Linear(1, C), SiLU), then + col_emb + table_emb
        tok_num = silu(num @ nW + nb) + ncol + t_emb
        # categorical column: Embedding lookup, then + col_emb + table_emb
        tok_cat = jnp.take(cemb, cat[:, 0], axis=0) + ccol + t_emb
        # text_embedded column: Linear(300, C), then + col_emb + table_emb
        tok_text = text[:, 0, :] @ tW + tb + tcol + t_emb
        node = jnp.arange(offset, offset + n, dtype=jnp.int32)
        for tok in (tok_num, tok_cat, tok_text):
            tokens.append(tok)
            node_idxs.append(node)
            table_idxs.append(jnp.full((n,), t_idx, dtype=jnp.int32))
            col_idxs.append(jnp.full((n,), c, dtype=jnp.int32))
            c += 1
        offset += n
    x = jnp.concatenate(tokens, axis=0)
    return x, jnp.concatenate(node_idxs), jnp.concatenate(col_idxs), jnp.concatenate(table_idxs)

def reference(users_num, users_cat, users_text, items_num, items_cat, items_text, table_emb,
              users_num_W, users_num_b, users_num_col, users_cat_emb, users_cat_col,
              users_text_W, users_text_b, users_text_col,
              items_num_W, items_num_b, items_num_col, items_cat_emb, items_cat_col,
              items_text_W, items_text_b, items_text_col):
    return _forward(users_num, users_cat, users_text, items_num, items_cat, items_text, table_emb,
                    users_num_W, users_num_b, users_num_col, users_cat_emb, users_cat_col,
                    users_text_W, users_text_b, users_text_col,
                    items_num_W, items_num_b, items_num_col, items_cat_emb, items_cat_col,
                    items_text_W, items_text_b, items_text_col)

if __name__ == "__main__":
    import jax
    _d = setup_inputs()
    print(jax.jit(kernel)(*tuple(_d.values())))

</pallas_src>

<mosaic_0001>
#map = affine_map<(d0, d1) -> (0, 0)>
#map1 = affine_map<(d0, d1) -> (0)>
#map2 = affine_map<(d0, d1) -> (0, 0, 0)>
module attributes {stable_mosaic.version = 14 : i64} {
  func.func @_sc_cat(%arg0: i32, %arg1: i32, %arg2: memref<1x16384xi32, #tpu.memory_space<hbm>>, %arg3: memref<1x16384xi32, #tpu.memory_space<hbm>>, %arg4: memref<100001x128xf32, #tpu.memory_space<hbm>>, %arg5: memref<100001x128xf32, #tpu.memory_space<hbm>>, %arg6: memref<128xf32, #tpu.memory_space<hbm>>, %arg7: memref<128xf32, #tpu.memory_space<hbm>>, %arg8: memref<2x128xf32, #tpu.memory_space<hbm>>, %arg9: memref<2x16384x128xf32, #tpu.memory_space<hbm>>, %arg10: memref<256xi32, #tpu.memory_space<vmem>>, %arg11: memref<256xi32, #tpu.memory_space<vmem>>, %arg12: memref<256xi32, #tpu.memory_space<vmem>>, %arg13: memref<256x128xf32, #tpu.memory_space<vmem>>, %arg14: memref<256x128xf32, #tpu.memory_space<vmem>>, %arg15: memref<256x128xf32, #tpu.memory_space<vmem>>, %arg16: memref<128xf32, #tpu.memory_space<vmem>>, %arg17: memref<128xf32, #tpu.memory_space<vmem>>, %arg18: memref<2x128xf32, #tpu.memory_space<vmem>>, %arg19: memref<!tpu.dma_semaphore, #tpu.memory_space<semaphore_mem>>, %arg20: memref<!tpu.dma_semaphore, #tpu.memory_space<semaphore_mem>>, %arg21: memref<!tpu.dma_semaphore, #tpu.memory_space<semaphore_mem>>, %arg22: memref<!tpu.dma_semaphore, #tpu.memory_space<semaphore_mem>>, %arg23: memref<!tpu.dma_semaphore, #tpu.memory_space<semaphore_mem>>, %arg24: memref<!tpu.dma_semaphore, #tpu.memory_space<semaphore_mem>>) attributes {dimension_semantics = [#tpu.dimension_semantics<core_parallel>, #tpu.dimension_semantics<subcore_parallel>], iteration_bounds = array<i64: 2, 16>, scalar_prefetch = 0 : i64, scratch_operands = 15 : i64, tpu.core_type = #tpu.core_type<sc_vector_subcore>, window_params = [{transform_indices = #map}, {transform_indices = #map}, {transform_indices = #map}, {transform_indices = #map}, {transform_indices = #map1}, {transform_indices = #map1}, {transform_indices = #map}, {transform_indices = #map2}]} {
    %mul3A = arith.constant 2 : i32
    %mul3A_0 = arith.muli %arg1, %mul3A : i32
    %add3A = arith.addi %mul3A_0, %arg0 : i32
    "tpu.region"() ({
      %run_scoped3A_266 = tpu.sem_alloc : memref<!tpu.dma_semaphore, #tpu.memory_space<semaphore_mem>>
      tpu.enqueue_dma source(%arg6 : memref<128xf32, #tpu.memory_space<hbm>>) target(%arg16 : memref<128xf32, #tpu.memory_space<vmem>>) target_semaphore(%run_scoped3A_266 : memref<!tpu.dma_semaphore, #tpu.memory_space<semaphore_mem>>)
      tpu.wait_dma2 semaphore(%run_scoped3A_266 : memref<!tpu.dma_semaphore, #tpu.memory_space<semaphore_mem>>) src(%arg6 : memref<128xf32, #tpu.memory_space<hbm>>) dst(%arg16 : memref<128xf32, #tpu.memory_space<vmem>>)
      tpu.yield
    }) : () -> ()
    "tpu.region"() ({
      %run_scoped3A_266 = tpu.sem_alloc : memref<!tpu.dma_semaphore, #tpu.memory_space<semaphore_mem>>
      tpu.enqueue_dma source(%arg7 : memref<128xf32, #tpu.memory_space<hbm>>) target(%arg17 : memref<128xf32, #tpu.memory_space<vmem>>) target_semaphore(%run_scoped3A_266 : memref<!tpu.dma_semaphore, #tpu.memory_space<semaphore_mem>>)
      tpu.wait_dma2 semaphore(%run_scoped3A_266 : memref<!tpu.dma_semaphore, #tpu.memory_space<semaphore_mem>>) src(%arg7 : memref<128xf32, #tpu.memory_space<hbm>>) dst(%arg17 : memref<128xf32, #tpu.memory_space<vmem>>)
      tpu.yield
    }) : () -> ()
    "tpu.region"() ({
      %run_scoped3A_266 = tpu.sem_alloc : memref<!tpu.dma_semaphore, #tpu.memory_space<semaphore_mem>>
      tpu.enqueue_dma source(%arg8 : memref<2x128xf32, #tpu.memory_space<hbm>>) target(%arg18 : memref<2x128xf32, #tpu.memory_space<vmem>>) target_semaphore(%run_scoped3A_266 : memref<!tpu.dma_semaphore, #tpu.memory_space<semaphore_mem>>)
      tpu.wait_dma2 semaphore(%run_scoped3A_266 : memref<!tpu.dma_semaphore, #tpu.memory_space<semaphore_mem>>) src(%arg8 : memref<2x128xf32, #tpu.memory_space<hbm>>) dst(%arg18 : memref<2x128xf32, #tpu.memory_space<vmem>>)
      tpu.yield
    }) : () -> ()
    %mul3A_1 = arith.constant 512 : i32
    %mul3A_2 = arith.muli %add3A, %mul3A_1 : i32
    %get3A = arith.constant 0 : index
    %get3A_3 = tpu.vector_load %arg16[%get3A] {strides = array<i32>} : memref<128xf32, #tpu.memory_space<vmem>>, vector<16xf32>,
    %get3A_4 = vector.shape_cast %get3A_3 : vector<16xf32> to vector<16xf32>
    %get3A_5 = arith.constant 0 : i32
    %get3A_6 = arith.index_cast %get3A_5 : i32 to index
    %get3A_7 = arith.constant 0 : index
    %get3A_8 = tpu.vector_load %arg18[%get3A_6, %get3A_7] {strides = array<i32>} : memref<2x128xf32, #tpu.memory_space<vmem>>, vector<1x16xf32>,
    %get3A_9 = vector.shape_cast %get3A_8 : vector<1x16xf32> to vector<16xf32>
    %add3A_10 = arith.addf %get3A_4, %get3A_9 : vector<16xf32>
    %get3A_11 = arith.constant 16 : index
    %get3A_12 = tpu.vector_load %arg16[%get3A_11] {strides = array<i32>} : memref<128xf32, #tpu.memory_space<vmem>>, vector<16xf32>,
    %get3A_13 = vector.shape_cast %get3A_12 : vector<16xf32> to vector<16xf32>
    %get3A_14 = arith.constant 0 : i32
    %get3A_15 = arith.index_cast %get3A_14 : i32 to index
    %get3A_16 = arith.constant 16 : index
    %get3A_17 = tpu.vector_load %arg18[%get3A_15, %get3A_16] {strides = array<i32>} : memref<2x128xf32, #tpu.memory_space<vmem>>, vector<1x16xf32>,
    %get3A_18 = vector.shape_cast %get3A_17 : vector<1x16xf32> to vector<16xf32>
    %add3A_19 = arith.addf %get3A_13, %get3A_18 : vector<16xf32>
    %get3A_20 = arith.constant 32 : index
    %get3A_21 = tpu.vector_load %arg16[%get3A_20] {strides = array<i32>} : memref<128xf32, #tpu.memory_space<vmem>>, vector<16xf32>,
    %get3A_22 = vector.shape_cast %get3A_21 : vector<16xf32> to vector<16xf32>
    %get3A_23 = arith.constant 0 : i32
    %get3A_24 = arith.index_cast %get3A_23 : i32 to index
    %get3A_25 = arith.constant 32 : index
    %get3A_26 = tpu.vector_load %arg18[%get3A_24, %get3A_25] {strides = array<i32>} : memref<2x128xf32, #tpu.memory_space<vmem>>, vector<1x16xf32>,
    %get3A_27 = vector.shape_cast %get3A_26 : vector<1x16xf32> to vector<16xf32>
    %add3A_28 = arith.addf %get3A_22, %get3A_27 : vector<16xf32>
    %get3A_29 = arith.constant 48 : index
    %get3A_30 = tpu.vector_load %arg16[%get3A_29] {strides = array<i32>} : memref<128xf32, #tpu.memory_space<vmem>>, vector<16xf32>,
    %get3A_31 = vector.shape_cast %get3A_30 : vector<16xf32> to vector<16xf32>
    %get3A_32 = arith.constant 0 : i32
    %get3A_33 = arith.index_cast %get3A_32 : i32 to index
    %get3A_34 = arith.constant 48 : index
    %get3A_35 = tpu.vector_load %arg18[%get3A_33, %get3A_34] {strides = array<i32>} : memref<2x128xf32, #tpu.memory_space<vmem>>, vector<1x16xf32>,
    %get3A_36 = vector.shape_cast %get3A_35 : vector<1x16xf32> to vector<16xf32>
    %add3A_37 = arith.addf %get3A_31, %get3A_36 : vector<16xf32>
    %get3A_38 = arith.constant 64 : index
    %get3A_39 = tpu.vector_load %arg16[%get3A_38] {strides = array<i32>} : memref<128xf32, #tpu.memory_space<vmem>>, vector<16xf32>,
    %get3A_40 = vector.shape_cast %get3A_39 : vector<16xf32> to vector<16xf32>
    %get3A_41 = arith.constant 0 : i32
    %get3A_42 = arith.index_cast %get3A_41 : i32 to index
    %get3A_43 = arith.constant 64 : index
    %get3A_44 = tpu.vector_load %arg18[%get3A_42, %get3A_43] {strides = array<i32>} : memref<2x128xf32, #tpu.memory_space<vmem>>, vector<1x16xf32>,
    %get3A_45 = vector.shape_cast %get3A_44 : vector<1x16xf32> to vector<16xf32>
    %add3A_46 = arith.addf %get3A_40, %get3A_45 : vector<16xf32>
    %get3A_47 = arith.constant 80 : index
    %get3A_48 = tpu.vector_load %arg16[%get3A_47] {strides = array<i32>} : memref<128xf32, #tpu.memory_space<vmem>>, vector<16xf32>,
    %get3A_49 = vector.shape_cast %get3A_48 : vector<16xf32> to vector<16xf32>
    %get3A_50 = arith.constant 0 : i32
    %get3A_51 = arith.index_cast %get3A_50 : i32 to index
    %get3A_52 = arith.constant 80 : index
    %get3A_53 = tpu.vector_load %arg18[%get3A_51, %get3A_52] {strides = array<i32>} : memref<2x128xf32, #tpu.memory_space<vmem>>, vector<1x16xf32>,
    %get3A_54 = vector.shape_cast %get3A_53 : vector<1x16xf32> to vector<16xf32>
    %add3A_55 = arith.addf %get3A_49, %get3A_54 : vector<16xf32>
    %get3A_56 = arith.constant 96 : index
    %get3A_57 = tpu.vector_load %arg16[%get3A_56] {strides = array<i32>} : memref<128xf32, #tpu.memory_space<vmem>>, vector<16xf32>,
    %get3A_58 = vector.shape_cast %get3A_57 : vector<16xf32> to vector<16xf32>
    %get3A_59 = arith.constant 0 : i32
    %get3A_60 = arith.index_cast %get3A_59 : i32 to index
    %get3A_61 = arith.constant 96 : index
    %get3A_62 = tpu.vector_load %arg18[%get3A_60, %get3A_61] {strides = array<i32>} : memref<2x128xf32, #tpu.memory_space<vmem>>, vector<1x16xf32>,
    %get3A_63 = vector.shape_cast %get3A_62 : vector<1x16xf32> to vector<16xf32>
    %add3A_64 = arith.addf %get3A_58, %get3A_63 : vector<16xf32>
    %get3A_65 = arith.constant 112 : index
    %get3A_66 = tpu.vector_load %arg16[%get3A_65] {strides = array<i32>} : memref<128xf32, #tpu.memory_space<vmem>>, vector<16xf32>,
    %get3A_67 = vector.shape_cast %get3A_66 : vector<16xf32> to vector<16xf32>
    %get3A_68 = arith.constant 0 : i32
    %get3A_69 = arith.index_cast %get3A_68 : i32 to index
    %get3A_70 = arith.constant 112 : index
    %get3A_71 = tpu.vector_load %arg18[%get3A_69, %get3A_70] {strides = array<i32>} : memref<2x128xf32, #tpu.memory_space<vmem>>, vector<1x16xf32>,
    %get3A_72 = vector.shape_cast %get3A_71 : vector<1x16xf32> to vector<16xf32>
    %add3A_73 = arith.addf %get3A_67, %get3A_72 : vector<16xf32>
    %get3A_74 = arith.constant 0 : index
    %get3A_75 = tpu.vector_load %arg17[%get3A_74] {strides = array<i32>} : memref<128xf32, #tpu.memory_space<vmem>>, vector<16xf32>,
    %get3A_76 = vector.shape_cast %get3A_75 : vector<16xf32> to vector<16xf32>
    %get3A_77 = arith.constant 1 : i32
    %get3A_78 = arith.index_cast %get3A_77 : i32 to index
    %get3A_79 = arith.constant 0 : index
    %get3A_80 = tpu.vector_load %arg18[%get3A_78, %get3A_79] {strides = array<i32>} : memref<2x128xf32, #tpu.memory_space<vmem>>, vector<1x16xf32>,
    %get3A_81 = vector.shape_cast %get3A_80 : vector<1x16xf32> to vector<16xf32>
    %add3A_82 = arith.addf %get3A_76, %get3A_81 : vector<16xf32>
    %get3A_83 = arith.constant 16 : index
    %get3A_84 = tpu.vector_load %arg17[%get3A_83] {strides = array<i32>} : memref<128xf32, #tpu.memory_space<vmem>>, vector<16xf32>,
    %get3A_85 = vector.shape_cast %get3A_84 : vector<16xf32> to vector<16xf32>
    %get3A_86 = arith.constant 1 : i32
    %get3A_87 = arith.index_cast %get3A_86 : i32 to index
    %get3A_88 = arith.constant 16 : index
    %get3A_89 = tpu.vector_load %arg18[%get3A_87, %get3A_88] {strides = array<i32>} : memref<2x128xf32, #tpu.memory_space<vmem>>, vector<1x16xf32>,
    %get3A_90 = vector.shape_cast %get3A_89 : vector<1x16xf32> to vector<16xf32>
    %add3A_91 = arith.addf %get3A_85, %get3A_90 : vector<16xf32>
    %get3A_92 = arith.constant 32 : index
    %get3A_93 = tpu.vector_load %arg17[%get3A_92] {strides = array<i32>} : memref<128xf32, #tpu.memory_space<vmem>>, vector<16xf32>,
    %get3A_94 = vector.shape_cast %get3A_93 : vector<16xf32> to vector<16xf32>
    %get3A_95 = arith.constant 1 : i32
    %get3A_96 = arith.index_cast %get3A_95 : i32 to index
    %get3A_97 = arith.constant 32 : index
    %get3A_98 = tpu.vector_load %arg18[%get3A_96, %get3A_97] {strides = array<i32>} : memref<2x128xf32, #tpu.memory_space<vmem>>, vector<1x16xf32>,
    %get3A_99 = vector.shape_cast %get3A_98 : vector<1x16xf32> to vector<16xf32>
    %add3A_100 = arith.addf %get3A_94, %get3A_99 : vector<16xf32>
    %get3A_101 = arith.constant 48 : index
    %get3A_102 = tpu.vector_load %arg17[%get3A_101] {strides = array<i32>} : memref<128xf32, #tpu.memory_space<vmem>>, vector<16xf32>,
    %get3A_103 = vector.shape_cast %get3A_102 : vector<16xf32> to vector<16xf32>
    %get3A_104 = arith.constant 1 : i32
    %get3A_105 = arith.index_cast %get3A_104 : i32 to index
    %get3A_106 = arith.constant 48 : index
    %get3A_107 = tpu.vector_load %arg18[%get3A_105, %get3A_106] {strides = array<i32>} : memref<2x128xf32, #tpu.memory_space<vmem>>, vector<1x16xf32>,
    %get3A_108 = vector.shape_cast %get3A_107 : vector<1x16xf32> to vector<16xf32>
    %add3A_109 = arith.addf %get3A_103, %get3A_108 : vector<16xf32>
    %get3A_110 = arith.constant 64 : index
    %get3A_111 = tpu.vector_load %arg17[%get3A_110] {strides = array<i32>} : memref<128xf32, #tpu.memory_space<vmem>>, vector<16xf32>,
    %get3A_112 = vector.shape_cast %get3A_111 : vector<16xf32> to vector<16xf32>
    %get3A_113 = arith.constant 1 : i32
    %get3A_114 = arith.index_cast %get3A_113 : i32 to index
    %get3A_115 = arith.constant 64 : index
    %get3A_116 = tpu.vector_load %arg18[%get3A_114, %get3A_115] {strides = array<i32>} : memref<2x128xf32, #tpu.memory_space<vmem>>, vector<1x16xf32>,
    %get3A_117 = vector.shape_cast %get3A_116 : vector<1x16xf32> to vector<16xf32>
    %add3A_118 = arith.addf %get3A_112, %get3A_117 : vector<16xf32>
    %get3A_119 = arith.constant 80 : index
    %get3A_120 = tpu.vector_load %arg17[%get3A_119] {strides = array<i32>} : memref<128xf32, #tpu.memory_space<vmem>>, vector<16xf32>,
    %get3A_121 = vector.shape_cast %get3A_120 : vector<16xf32> to vector<16xf32>
    %get3A_122 = arith.constant 1 : i32
    %get3A_123 = arith.index_cast %get3A_122 : i32 to index
    %get3A_124 = arith.constant 80 : index
    %get3A_125 = tpu.vector_load %arg18[%get3A_123, %get3A_124] {strides = array<i32>} : memref<2x128xf32, #tpu.memory_space<vmem>>, vector<1x16xf32>,
    %get3A_126 = vector.shape_cast %get3A_125 : vector<1x16xf32> to vector<16xf32>
    %add3A_127 = arith.addf %get3A_121, %get3A_126 : vector<16xf32>
    %get3A_128 = arith.constant 96 : index
    %get3A_129 = tpu.vector_load %arg17[%get3A_128] {strides = array<i32>} : memref<128xf32, #tpu.memory_space<vmem>>, vector<16xf32>,
    %get3A_130 = vector.shape_cast %get3A_129 : vector<16xf32> to vector<16xf32>
    %get3A_131 = arith.constant 1 : i32
    %get3A_132 = arith.index_cast %get3A_131 : i32 to index
    %get3A_133 = arith.constant 96 : index
    %get3A_134 = tpu.vector_load %arg18[%get3A_132, %get3A_133] {strides = array<i32>} : memref<2x128xf32, #tpu.memory_space<vmem>>, vector<1x16xf32>,
    %get3A_135 = vector.shape_cast %get3A_134 : vector<1x16xf32> to vector<16xf32>
    %add3A_136 = arith.addf %get3A_130, %get3A_135 : vector<16xf32>
    %get3A_137 = arith.constant 112 : index
    %get3A_138 = tpu.vector_load %arg17[%get3A_137] {strides = array<i32>} : memref<128xf32, #tpu.memory_space<vmem>>, vector<16xf32>,
    %get3A_139 = vector.shape_cast %get3A_138 : vector<16xf32> to vector<16xf32>
    %get3A_140 = arith.constant 1 : i32
    %get3A_141 = arith.index_cast %get3A_140 : i32 to index
    %get3A_142 = arith.constant 112 : index
    %get3A_143 = tpu.vector_load %arg18[%get3A_141, %get3A_142] {strides = array<i32>} : memref<2x128xf32, #tpu.memory_space<vmem>>, vector<1x16xf32>,
    %get3A_144 = vector.shape_cast %get3A_143 : vector<1x16xf32> to vector<16xf32>
    %add3A_145 = arith.addf %get3A_139, %get3A_144 : vector<16xf32>
    %add3A_146 = arith.constant 0 : i32
    %add3A_147 = arith.addi %mul3A_2, %add3A_146 : i32
    %run_scoped3A = arith.constant 0 : i32
    "tpu.region"() ({
      %run_scoped3A_266 = tpu.sem_alloc : memref<!tpu.dma_semaphore, #tpu.memory_space<semaphore_mem>>
      %dma_start3A_267 = tpu.memref_slice %arg2[%run_scoped3A, %add3A_147] : memref<1x16384xi32, #tpu.memory_space<hbm>> -> memref<1x256xi32, #tpu.memory_space<hbm>>
      %dma_start3A_268 = tpu.memref_squeeze %dma_start3A_267 : memref<1x256xi32, #tpu.memory_space<hbm>> -> memref<256xi32, #tpu.memory_space<hbm>>
      %dma_start3A_269 = tpu.memref_slice %arg2[%run_scoped3A, %add3A_147] : memref<1x16384xi32, #tpu.memory_space<hbm>> -> memref<1x256xi32, #tpu.memory_space<hbm>>
      %dma_start3A_270 = tpu.memref_squeeze %dma_start3A_269 : memref<1x256xi32, #tpu.memory_space<hbm>> -> memref<256xi32, #tpu.memory_space<hbm>>
      tpu.enqueue_dma source(%dma_start3A_270 : memref<256xi32, #tpu.memory_space<hbm>>) target(%arg10 : memref<256xi32, #tpu.memory_space<vmem>>) target_semaphore(%run_scoped3A_266 : memref<!tpu.dma_semaphore, #tpu.memory_space<semaphore_mem>>)
      %dma_wait3A_271 = tpu.memref_slice %arg2[%run_scoped3A, %add3A_147] : memref<1x16384xi32, #tpu.memory_space<hbm>> -> memref<1x256xi32, #tpu.memory_space<hbm>>
      %dma_wait3A_272 = tpu.memref_squeeze %dma_wait3A_271 : memref<1x256xi32, #tpu.memory_space<hbm>> -> memref<256xi32, #tpu.memory_space<hbm>>
      %dma_wait3A_273 = tpu.memref_slice %arg2[%run_scoped3A, %add3A_147] : memref<1x16384xi32, #tpu.memory_space<hbm>> -> memref<1x256xi32, #tpu.memory_space<hbm>>
      %dma_wait3A_274 = tpu.memref_squeeze %dma_wait3A_273 : memref<1x256xi32, #tpu.memory_space<hbm>> -> memref<256xi32, #tpu.memory_space<hbm>>
      tpu.wait_dma2 semaphore(%run_scoped3A_266 : memref<!tpu.dma_semaphore, #tpu.memory_space<semaphore_mem>>) src(%dma_wait3A_274 : memref<256xi32, #tpu.memory_space<hbm>>) dst(%arg10 : memref<256xi32, #tpu.memory_space<vmem>>)
      tpu.yield
    }) : () -> ()
    %dma_start3A = arith.constant 0 : i32
    %dma_start3A_148 = arith.constant 0 : i32
    %dma_start3A_149 = tpu.memref_slice %arg4[%dma_start3A, %dma_start3A_148] : memref<100001x128xf32, #tpu.memory_space<hbm>> -> memref<100001x128xf32, #tpu.memory_space<hbm>>
    tpu.enqueue_indirect_dma source(%dma_start3A_149 : memref<100001x128xf32, #tpu.memory_space<hbm>>) target(%arg13 : memref<256x128xf32, #tpu.memory_space<vmem>>) offsets(%arg10 : memref<256xi32, #tpu.memory_space<vmem>>) semaphore(%arg19 : memref<!tpu.dma_semaphore, #tpu.memory_space<semaphore_mem>>)
    %add3A_150 = arith.constant 256 : i32
    %add3A_151 = arith.addi %mul3A_2, %add3A_150 : i32
    %run_scoped3A_152 = arith.constant 0 : i32
    "tpu.region"() ({
      %run_scoped3A_266 = tpu.sem_alloc : memref<!tpu.dma_semaphore, #tpu.memory_space<semaphore_mem>>
      %dma_start3A_267 = tpu.memref_slice %arg2[%run_scoped3A_152, %add3A_151] : memref<1x16384xi32, #tpu.memory_space<hbm>> -> memref<1x256xi32, #tpu.memory_space<hbm>>
      %dma_start3A_268 = tpu.memref_squeeze %dma_start3A_267 : memref<1x256xi32, #tpu.memory_space<hbm>> -> memref<256xi32, #tpu.memory_space<hbm>>
      %dma_start3A_269 = tpu.memref_slice %arg2[%run_scoped3A_152, %add3A_151] : memref<1x16384xi32, #tpu.memory_space<hbm>> -> memref<1x256xi32, #tpu.memory_space<hbm>>
      %dma_start3A_270 = tpu.memref_squeeze %dma_start3A_269 : memref<1x256xi32, #tpu.memory_space<hbm>> -> memref<256xi32, #tpu.memory_space<hbm>>
      tpu.enqueue_dma source(%dma_start3A_270 : memref<256xi32, #tpu.memory_space<hbm>>) target(%arg11 : memref<256xi32, #tpu.memory_space<vmem>>) target_semaphore(%run_scoped3A_266 : memref<!tpu.dma_semaphore, #tpu.memory_space<semaphore_mem>>)
      %dma_wait3A_271 = tpu.memref_slice %arg2[%run_scoped3A_152, %add3A_151] : memref<1x16384xi32, #tpu.memory_space<hbm>> -> memref<1x256xi32, #tpu.memory_space<hbm>>
      %dma_wait3A_272 = tpu.memref_squeeze %dma_wait3A_271 : memref<1x256xi32, #tpu.memory_space<hbm>> -> memref<256xi32, #tpu.memory_space<hbm>>
      %dma_wait3A_273 = tpu.memref_slice %arg2[%run_scoped3A_152, %add3A_151] : memref<1x16384xi32, #tpu.memory_space<hbm>> -> memref<1x256xi32, #tpu.memory_space<hbm>>
      %dma_wait3A_274 = tpu.memref_squeeze %dma_wait3A_273 : memref<1x256xi32, #tpu.memory_space<hbm>> -> memref<256xi32, #tpu.memory_space<hbm>>
      tpu.wait_dma2 semaphore(%run_scoped3A_266 : memref<!tpu.dma_semaphore, #tpu.memory_space<semaphore_mem>>) src(%dma_wait3A_274 : memref<256xi32, #tpu.memory_space<hbm>>) dst(%arg11 : memref<256xi32, #tpu.memory_space<vmem>>)
      tpu.yield
    }) : () -> ()
    %dma_start3A_153 = arith.constant 0 : i32
    %dma_start3A_154 = arith.constant 0 : i32
    %dma_start3A_155 = tpu.memref_slice %arg4[%dma_start3A_153, %dma_start3A_154] : memref<100001x128xf32, #tpu.memory_space<hbm>> -> memref<100001x128xf32, #tpu.memory_space<hbm>>
    tpu.enqueue_indirect_dma source(%dma_start3A_155 : memref<100001x128xf32, #tpu.memory_space<hbm>>) target(%arg14 : memref<256x128xf32, #tpu.memory_space<vmem>>) offsets(%arg11 : memref<256xi32, #tpu.memory_space<vmem>>) semaphore(%arg20 : memref<!tpu.dma_semaphore, #tpu.memory_space<semaphore_mem>>)
    %add3A_156 = arith.constant 0 : i32
    %add3A_157 = arith.addi %mul3A_2, %add3A_156 : i32
    %run_scoped3A_158 = arith.constant 0 : i32
    "tpu.region"() ({
      %run_scoped3A_266 = tpu.sem_alloc : memref<!tpu.dma_semaphore, #tpu.memory_space<semaphore_mem>>
      %dma_start3A_267 = tpu.memref_slice %arg3[%run_scoped3A_158, %add3A_157] : memref<1x16384xi32, #tpu.memory_space<hbm>> -> memref<1x256xi32, #tpu.memory_space<hbm>>
      %dma_start3A_268 = tpu.memref_squeeze %dma_start3A_267 : memref<1x256xi32, #tpu.memory_space<hbm>> -> memref<256xi32, #tpu.memory_space<hbm>>
      %dma_start3A_269 = tpu.memref_slice %arg3[%run_scoped3A_158, %add3A_157] : memref<1x16384xi32, #tpu.memory_space<hbm>> -> memref<1x256xi32, #tpu.memory_space<hbm>>
      %dma_start3A_270 = tpu.memref_squeeze %dma_start3A_269 : memref<1x256xi32, #tpu.memory_space<hbm>> -> memref<256xi32, #tpu.memory_space<hbm>>
      tpu.enqueue_dma source(%dma_start3A_270 : memref<256xi32, #tpu.memory_space<hbm>>) target(%arg12 : memref<256xi32, #tpu.memory_space<vmem>>) target_semaphore(%run_scoped3A_266 : memref<!tpu.dma_semaphore, #tpu.memory_space<semaphore_mem>>)
      %dma_wait3A_271 = tpu.memref_slice %arg3[%run_scoped3A_158, %add3A_157] : memref<1x16384xi32, #tpu.memory_space<hbm>> -> memref<1x256xi32, #tpu.memory_space<hbm>>
      %dma_wait3A_272 = tpu.memref_squeeze %dma_wait3A_271 : memref<1x256xi32, #tpu.memory_space<hbm>> -> memref<256xi32, #tpu.memory_space<hbm>>
      %dma_wait3A_273 = tpu.memref_slice %arg3[%run_scoped3A_158, %add3A_157] : memref<1x16384xi32, #tpu.memory_space<hbm>> -> memref<1x256xi32, #tpu.memory_space<hbm>>
      %dma_wait3A_274 = tpu.memref_squeeze %dma_wait3A_273 : memref<1x256xi32, #tpu.memory_space<hbm>> -> memref<256xi32, #tpu.memory_space<hbm>>
      tpu.wait_dma2 semaphore(%run_scoped3A_266 : memref<!tpu.dma_semaphore, #tpu.memory_space<semaphore_mem>>) src(%dma_wait3A_274 : memref<256xi32, #tpu.memory_space<hbm>>) dst(%arg12 : memref<256xi32, #tpu.memory_space<vmem>>)
      tpu.yield
    }) : () -> ()
    %dma_start3A_159 = arith.constant 0 : i32
    %dma_start3A_160 = arith.constant 0 : i32
    %dma_start3A_161 = tpu.memref_slice %arg5[%dma_start3A_159, %dma_start3A_160] : memref<100001x128xf32, #tpu.memory_space<hbm>> -> memref<100001x128xf32, #tpu.memory_space<hbm>>
    tpu.enqueue_indirect_dma source(%dma_start3A_161 : memref<100001x128xf32, #tpu.memory_space<hbm>>) target(%arg15 : memref<256x128xf32, #tpu.memory_space<vmem>>) offsets(%arg12 : memref<256xi32, #tpu.memory_space<vmem>>) semaphore(%arg21 : memref<!tpu.dma_semaphore, #tpu.memory_space<semaphore_mem>>)
    %dma_wait3A = arith.constant 0 : i32
    %dma_wait3A_162 = arith.constant 0 : i32
    %dma_wait3A_163 = tpu.memref_slice %arg4[%dma_wait3A, %dma_wait3A_162] : memref<100001x128xf32, #tpu.memory_space<hbm>> -> memref<100001x128xf32, #tpu.memory_space<hbm>>
    tpu.wait_indirect_dma semaphore(%arg19 : memref<!tpu.dma_semaphore, #tpu.memory_space<semaphore_mem>>) src(%dma_wait3A_163 : memref<100001x128xf32, #tpu.memory_space<hbm>>) dst(%arg13 : memref<256x128xf32, #tpu.memory_space<vmem>>)
    %scan3A = arith.constant 0 : i32
    %scan3A_164 = arith.constant 0 : i32
    %scan3A_165 = arith.constant 256 : i32
    %scan3A_166 = arith.addi %scan3A_164, %scan3A_165 : i32
    %scan3A_167 = arith.constant 2 : i32
    scf.for %scan3A_266 = %scan3A_164 to %scan3A_166 step %scan3A_167  : i32 {
      %swap3A = arith.index_cast %scan3A_266 : i32 to index
      %swap3A_267 = arith.constant 0 : index
      %swap3A_268 = tpu.vector_load %arg13[%swap3A, %swap3A_267] {strides = array<i32>} : memref<256x128xf32, #tpu.memory_space<vmem>>, vector<1x16xf32>,
      %swap3A_269 = vector.shape_cast %swap3A_268 : vector<1x16xf32> to vector<16xf32>
      %swap3A_270 = vector.shape_cast %add3A_10 : vector<16xf32> to vector<1x16xf32>
      tpu.vector_store %arg13[%swap3A, %swap3A_267], %swap3A_270 {add = true, strides = array<i32>} : memref<256x128xf32, #tpu.memory_space<vmem>>, vector<1x16xf32>,
      %swap3A_271 = arith.index_cast %scan3A_266 : i32 to index
      %swap3A_272 = arith.constant 16 : index
      %swap3A_273 = tpu.vector_load %arg13[%swap3A_271, %swap3A_272] {strides = array<i32>} : memref<256x128xf32, #tpu.memory_space<vmem>>, vector<1x16xf32>,
      %swap3A_274 = vector.shape_cast %swap3A_273 : vector<1x16xf32> to vector<16xf32>
      %swap3A_275 = vector.shape_cast %add3A_19 : vector<16xf32> to vector<1x16xf32>
      tpu.vector_store %arg13[%swap3A_271, %swap3A_272], %swap3A_275 {add = true, strides = array<i32>} : memref<256x128xf32, #tpu.memory_space<vmem>>, vector<1x16xf32>,
      %swap3A_276 = arith.index_cast %scan3A_266 : i32 to index
      %swap3A_277 = arith.constant 32 : index
      %swap3A_278 = tpu.vector_load %arg13[%swap3A_276, %swap3A_277] {strides = array<i32>} : memref<256x128xf32, #tpu.memory_space<vmem>>, vector<1x16xf32>,
      %swap3A_279 = vector.shape_cast %swap3A_278 : vector<1x16xf32> to vector<16xf32>
      %swap3A_280 = vector.shape_cast %add3A_28 : vector<16xf32> to vector<1x16xf32>
      tpu.vector_store %arg13[%swap3A_276, %swap3A_277], %swap3A_280 {add = true, strides = array<i32>} : memref<256x128xf32, #tpu.memory_space<vmem>>, vector<1x16xf32>,
      %swap3A_281 = arith.index_cast %scan3A_266 : i32 to index
      %swap3A_282 = arith.constant 48 : index
      %swap3A_283 = tpu.vector_load %arg13[%swap3A_281, %swap3A_282] {strides = array<i32>} : memref<256x128xf32, #tpu.memory_space<vmem>>, vector<1x16xf32>,
      %swap3A_284 = vector.shape_cast %swap3A_283 : vector<1x16xf32> to vector<16xf32>
      %swap3A_285 = vector.shape_cast %add3A_37 : vector<16xf32> to vector<1x16xf32>
      tpu.vector_store %arg13[%swap3A_281, %swap3A_282], %swap3A_285 {add = true, strides = array<i32>} : memref<256x128xf32, #tpu.memory_space<vmem>>, vector<1x16xf32>,
      %swap3A_286 = arith.index_cast %scan3A_266 : i32 to index
      %swap3A_287 = arith.constant 64 : index
      %swap3A_288 = tpu.vector_load %arg13[%swap3A_286, %swap3A_287] {strides = array<i32>} : memref<256x128xf32, #tpu.memory_space<vmem>>, vector<1x16xf32>,
      %swap3A_289 = vector.shape_cast %swap3A_288 : vector<1x16xf32> to vector<16xf32>
      %swap3A_290 = vector.shape_cast %add3A_46 : vector<16xf32> to vector<1x16xf32>
      tpu.vector_store %arg13[%swap3A_286, %swap3A_287], %swap3A_290 {add = true, strides = array<i32>} : memref<256x128xf32, #tpu.memory_space<vmem>>, vector<1x16xf32>,
      %swap3A_291 = arith.index_cast %scan3A_266 : i32 to index
      %swap3A_292 = arith.constant 80 : index
      %swap3A_293 = tpu.vector_load %arg13[%swap3A_291, %swap3A_292] {strides = array<i32>} : memref<256x128xf32, #tpu.memory_space<vmem>>, vector<1x16xf32>,
      %swap3A_294 = vector.shape_cast %swap3A_293 : vector<1x16xf32> to vector<16xf32>
      %swap3A_295 = vector.shape_cast %add3A_55 : vector<16xf32> to vector<1x16xf32>
      tpu.vector_store %arg13[%swap3A_291, %swap3A_292], %swap3A_295 {add = true, strides = array<i32>} : memref<256x128xf32, #tpu.memory_space<vmem>>, vector<1x16xf32>,
      %swap3A_296 = arith.index_cast %scan3A_266 : i32 to index
      %swap3A_297 = arith.constant 96 : index
      %swap3A_298 = tpu.vector_load %arg13[%swap3A_296, %swap3A_297] {strides = array<i32>} : memref<256x128xf32, #tpu.memory_space<vmem>>, vector<1x16xf32>,
      %swap3A_299 = vector.shape_cast %swap3A_298 : vector<1x16xf32> to vector<16xf32>
      %swap3A_300 = vector.shape_cast %add3A_64 : vector<16xf32> to vector<1x16xf32>
      tpu.vector_store %arg13[%swap3A_296, %swap3A_297], %swap3A_300 {add = true, strides = array<i32>} : memref<256x128xf32, #tpu.memory_space<vmem>>, vector<1x16xf32>,
      %swap3A_301 = arith.index_cast %scan3A_266 : i32 to index
      %swap3A_302 = arith.constant 112 : index
      %swap3A_303 = tpu.vector_load %arg13[%swap3A_301, %swap3A_302] {strides = array<i32>} : memref<256x128xf32, #tpu.memory_space<vmem>>, vector<1x16xf32>,
      %swap3A_304 = vector.shape_cast %swap3A_303 : vector<1x16xf32> to vector<16xf32>
      %swap3A_305 = vector.shape_cast %add3A_73 : vector<16xf32> to vector<1x16xf32>
      tpu.vector_store %arg13[%swap3A_301, %swap3A_302], %swap3A_305 {add = true, strides = array<i32>} : memref<256x128xf32, #tpu.memory_space<vmem>>, vector<1x16xf32>,
      %scan3A_306 = arith.constant 1 : i32
      %scan3A_307 = arith.addi %scan3A_266, %scan3A_306 : i32
      %swap3A_308 = arith.index_cast %scan3A_307 : i32 to index
      %swap3A_309 = arith.constant 0 : index
      %swap3A_310 = tpu.vector_load %arg13[%swap3A_308, %swap3A_309] {strides = array<i32>} : memref<256x128xf32, #tpu.memory_space<vmem>>, vector<1x16xf32>,
      %swap3A_311 = vector.shape_cast %swap3A_310 : vector<1x16xf32> to vector<16xf32>
      %swap3A_312 = vector.shape_cast %add3A_10 : vector<16xf32> to vector<1x16xf32>
      tpu.vector_store %arg13[%swap3A_308, %swap3A_309], %swap3A_312 {add = true, strides = array<i32>} : memref<256x128xf32, #tpu.memory_space<vmem>>, vector<1x16xf32>,
      %swap3A_313 = arith.index_cast %scan3A_307 : i32 to index
      %swap3A_314 = arith.constant 16 : index
      %swap3A_315 = tpu.vector_load %arg13[%swap3A_313, %swap3A_314] {strides = array<i32>} : memref<256x128xf32, #tpu.memory_space<vmem>>, vector<1x16xf32>,
      %swap3A_316 = vector.shape_cast %swap3A_315 : vector<1x16xf32> to vector<16xf32>
      %swap3A_317 = vector.shape_cast %add3A_19 : vector<16xf32> to vector<1x16xf32>
      tpu.vector_store %arg13[%swap3A_313, %swap3A_314], %swap3A_317 {add = true, strides = array<i32>} : memref<256x128xf32, #tpu.memory_space<vmem>>, vector<1x16xf32>,
      %swap3A_318 = arith.index_cast %scan3A_307 : i32 to index
      %swap3A_319 = arith.constant 32 : index
      %swap3A_320 = tpu.vector_load %arg13[%swap3A_318, %swap3A_319] {strides = array<i32>} : memref<256x128xf32, #tpu.memory_space<vmem>>, vector<1x16xf32>,
      %swap3A_321 = vector.shape_cast %swap3A_320 : vector<1x16xf32> to vector<16xf32>
      %swap3A_322 = vector.shape_cast %add3A_28 : vector<16xf32> to vector<1x16xf32>
      tpu.vector_store %arg13[%swap3A_318, %swap3A_319], %swap3A_322 {add = true, strides = array<i32>} : memref<256x128xf32, #tpu.memory_space<vmem>>, vector<1x16xf32>,
      %swap3A_323 = arith.index_cast %scan3A_307 : i32 to index
      %swap3A_324 = arith.constant 48 : index
      %swap3A_325 = tpu.vector_load %arg13[%swap3A_323, %swap3A_324] {strides = array<i32>} : memref<256x128xf32, #tpu.memory_space<vmem>>, vector<1x16xf32>,
      %swap3A_326 = vector.shape_cast %swap3A_325 : vector<1x16xf32> to vector<16xf32>
      %swap3A_327 = vector.shape_cast %add3A_37 : vector<16xf32> to vector<1x16xf32>
      tpu.vector_store %arg13[%swap3A_323, %swap3A_324], %swap3A_327 {add = true, strides = array<i32>} : memref<256x128xf32, #tpu.memory_space<vmem>>, vector<1x16xf32>,
      %swap3A_328 = arith.index_cast %scan3A_307 : i32 to index
      %swap3A_329 = arith.constant 64 : index
      %swap3A_330 = tpu.vector_load %arg13[%swap3A_328, %swap3A_329] {strides = array<i32>} : memref<256x128xf32, #tpu.memory_space<vmem>>, vector<1x16xf32>,
      %swap3A_331 = vector.shape_cast %swap3A_330 : vector<1x16xf32> to vector<16xf32>
      %swap3A_332 = vector.shape_cast %add3A_46 : vector<16xf32> to vector<1x16xf32>
      tpu.vector_store %arg13[%swap3A_328, %swap3A_329], %swap3A_332 {add = true, strides = array<i32>} : memref<256x128xf32, #tpu.memory_space<vmem>>, vector<1x16xf32>,
      %swap3A_333 = arith.index_cast %scan3A_307 : i32 to index
      %swap3A_334 = arith.constant 80 : index
      %swap3A_335 = tpu.vector_load %arg13[%swap3A_333, %swap3A_334] {strides = array<i32>} : memref<256x128xf32, #tpu.memory_space<vmem>>, vector<1x16xf32>,
      %swap3A_336 = vector.shape_cast %swap3A_335 : vector<1x16xf32> to vector<16xf32>
      %swap3A_337 = vector.shape_cast %add3A_55 : vector<16xf32> to vector<1x16xf32>
      tpu.vector_store %arg13[%swap3A_333, %swap3A_334], %swap3A_337 {add = true, strides = array<i32>} : memref<256x128xf32, #tpu.memory_space<vmem>>, vector<1x16xf32>,
      %swap3A_338 = arith.index_cast %scan3A_307 : i32 to index
      %swap3A_339 = arith.constant 96 : index
      %swap3A_340 = tpu.vector_load %arg13[%swap3A_338, %swap3A_339] {strides = array<i32>} : memref<256x128xf32, #tpu.memory_space<vmem>>, vector<1x16xf32>,
      %swap3A_341 = vector.shape_cast %swap3A_340 : vector<1x16xf32> to vector<16xf32>
      %swap3A_342 = vector.shape_cast %add3A_64 : vector<16xf32> to vector<1x16xf32>
      tpu.vector_store %arg13[%swap3A_338, %swap3A_339], %swap3A_342 {add = true, strides = array<i32>} : memref<256x128xf32, #tpu.memory_space<vmem>>, vector<1x16xf32>,
      %swap3A_343 = arith.index_cast %scan3A_307 : i32 to index
      %swap3A_344 = arith.constant 112 : index
      %swap3A_345 = tpu.vector_load %arg13[%swap3A_343, %swap3A_344] {strides = array<i32>} : memref<256x128xf32, #tpu.memory_space<vmem>>, vector<1x16xf32>,
      %swap3A_346 = vector.shape_cast %swap3A_345 : vector<1x16xf32> to vector<16xf32>
      %swap3A_347 = vector.shape_cast %add3A_73 : vector<16xf32> to vector<1x16xf32>
      tpu.vector_store %arg13[%swap3A_343, %swap3A_344], %swap3A_347 {add = true, strides = array<i32>} : memref<256x128xf32, #tpu.memory_space<vmem>>, vector<1x16xf32>,
    }
    %scan3A_168 = arith.constant 256 : i32
    %add3A_169 = arith.constant 0 : i32
    %add3A_170 = arith.addi %mul3A_2, %add3A_169 : i32
    %dma_start3A_171 = arith.constant 0 : i32
    %dma_start3A_172 = arith.constant 0 : i32
    %dma_start3A_173 = tpu.memref_slice %arg9[%dma_start3A_171, %add3A_170, %dma_start3A_172] : memref<2x16384x128xf32, #tpu.memory_space<hbm>> -> memref<1x256x128xf32, #tpu.memory_space<hbm>>
    %dma_start3A_174 = tpu.memref_squeeze %dma_start3A_173 : memref<1x256x128xf32, #tpu.memory_space<hbm>> -> memref<256x128xf32, #tpu.memory_space<hbm>>
    %dma_start3A_175 = arith.constant 0 : i32
    %dma_start3A_176 = tpu.memref_slice %arg9[%dma_start3A_171, %add3A_170, %dma_start3A_175] : memref<2x16384x128xf32, #tpu.memory_space<hbm>> -> memref<1x256x128xf32, #tpu.memory_space<hbm>>
    %dma_start3A_177 = tpu.memref_squeeze %dma_start3A_176 : memref<1x256x128xf32, #tpu.memory_space<hbm>> -> memref<256x128xf32, #tpu.memory_space<hbm>>
    tpu.enqueue_dma source(%arg13 : memref<256x128xf32, #tpu.memory_space<vmem>>) target(%dma_start3A_177 : memref<256x128xf32, #tpu.memory_space<hbm>>) target_semaphore(%arg22 : memref<!tpu.dma_semaphore, #tpu.memory_space<semaphore_mem>>)
    %dma_wait3A_178 = arith.constant 0 : i32
    %dma_wait3A_179 = arith.constant 0 : i32
    %dma_wait3A_180 = tpu.memref_slice %arg9[%dma_wait3A_178, %add3A_170, %dma_wait3A_179] : memref<2x16384x128xf32, #tpu.memory_space<hbm>> -> memref<1x256x128xf32, #tpu.memory_space<hbm>>
    %dma_wait3A_181 = tpu.memref_squeeze %dma_wait3A_180 : memref<1x256x128xf32, #tpu.memory_space<hbm>> -> memref<256x128xf32, #tpu.memory_space<hbm>>
    %dma_wait3A_182 = arith.constant 0 : i32
    %dma_wait3A_183 = tpu.memref_slice %arg9[%dma_wait3A_178, %add3A_170, %dma_wait3A_182] : memref<2x16384x128xf32, #tpu.memory_space<hbm>> -> memref<1x256x128xf32, #tpu.memory_space<hbm>>
    %dma_wait3A_184 = tpu.memref_squeeze %dma_wait3A_183 : memref<1x256x128xf32, #tpu.memory_space<hbm>> -> memref<256x128xf32, #tpu.memory_space<hbm>>
    tpu.wait_dma2 semaphore(%arg22 : memref<!tpu.dma_semaphore, #tpu.memory_space<semaphore_mem>>) src(%arg13 : memref<256x128xf32, #tpu.memory_space<vmem>>) dst(%dma_wait3A_184 : memref<256x128xf32, #tpu.memory_space<hbm>>)
    %add3A_185 = arith.constant 256 : i32
    %add3A_186 = arith.addi %mul3A_2, %add3A_185 : i32
    %run_scoped3A_187 = arith.constant 0 : i32
    "tpu.region"() ({
      %run_scoped3A_266 = tpu.sem_alloc : memref<!tpu.dma_semaphore, #tpu.memory_space<semaphore_mem>>
      %dma_start3A_267 = tpu.memref_slice %arg3[%run_scoped3A_187, %add3A_186] : memref<1x16384xi32, #tpu.memory_space<hbm>> -> memref<1x256xi32, #tpu.memory_space<hbm>>
      %dma_start3A_268 = tpu.memref_squeeze %dma_start3A_267 : memref<1x256xi32, #tpu.memory_space<hbm>> -> memref<256xi32, #tpu.memory_space<hbm>>
      %dma_start3A_269 = tpu.memref_slice %arg3[%run_scoped3A_187, %add3A_186] : memref<1x16384xi32, #tpu.memory_space<hbm>> -> memref<1x256xi32, #tpu.memory_space<hbm>>
      %dma_start3A_270 = tpu.memref_squeeze %dma_start3A_269 : memref<1x256xi32, #tpu.memory_space<hbm>> -> memref<256xi32, #tpu.memory_space<hbm>>
      tpu.enqueue_dma source(%dma_start3A_270 : memref<256xi32, #tpu.memory_space<hbm>>) target(%arg10 : memref<256xi32, #tpu.memory_space<vmem>>) target_semaphore(%run_scoped3A_266 : memref<!tpu.dma_semaphore, #tpu.memory_space<semaphore_mem>>)
      %dma_wait3A_271 = tpu.memref_slice %arg3[%run_scoped3A_187, %add3A_186] : memref<1x16384xi32, #tpu.memory_space<hbm>> -> memref<1x256xi32, #tpu.memory_space<hbm>>
      %dma_wait3A_272 = tpu.memref_squeeze %dma_wait3A_271 : memref<1x256xi32, #tpu.memory_space<hbm>> -> memref<256xi32, #tpu.memory_space<hbm>>
      %dma_wait3A_273 = tpu.memref_slice %arg3[%run_scoped3A_187, %add3A_186] : memref<1x16384xi32, #tpu.memory_space<hbm>> -> memref<1x256xi32, #tpu.memory_space<hbm>>
      %dma_wait3A_274 = tpu.memref_squeeze %dma_wait3A_273 : memref<1x256xi32, #tpu.memory_space<hbm>> -> memref<256xi32, #tpu.memory_space<hbm>>
      tpu.wait_dma2 semaphore(%run_scoped3A_266 : memref<!tpu.dma_semaphore, #tpu.memory_space<semaphore_mem>>) src(%dma_wait3A_274 : memref<256xi32, #tpu.memory_space<hbm>>) dst(%arg10 : memref<256xi32, #tpu.memory_space<vmem>>)
      tpu.yield
    }) : () -> ()
    %dma_start3A_188 = arith.constant 0 : i32
    %dma_start3A_189 = arith.constant 0 : i32
    %dma_start3A_190 = tpu.memref_slice %arg5[%dma_start3A_188, %dma_start3A_189] : memref<100001x128xf32, #tpu.memory_space<hbm>> -> memref<100001x128xf32, #tpu.memory_space<hbm>>
    tpu.enqueue_indirect_dma source(%dma_start3A_190 : memref<100001x128xf32, #tpu.memory_space<hbm>>) target(%arg13 : memref<256x128xf32, #tpu.memory_space<vmem>>) offsets(%arg10 : memref<256xi32, #tpu.memory_space<vmem>>) semaphore(%arg19 : memref<!tpu.dma_semaphore, #tpu.memory_space<semaphore_mem>>)
    %dma_wait3A_191 = arith.constant 0 : i32
    %dma_wait3A_192 = arith.constant 0 : i32
    %dma_wait3A_193 = tpu.memref_slice %arg4[%dma_wait3A_191, %dma_wait3A_192] : memref<100001x128xf32, #tpu.memory_space<hbm>> -> memref<100001x128xf32, #tpu.memory_space<hbm>>
    tpu.wait_indirect_dma semaphore(%arg20 : memref<!tpu.dma_semaphore, #tpu.memory_space<semaphore_mem>>) src(%dma_wait3A_193 : memref<100001x128xf32, #tpu.memory_space<hbm>>) dst(%arg14 : memref<256x128xf32, #tpu.memory_space<vmem>>)
    %scan3A_194 = arith.constant 0 : i32
    %scan3A_195 = arith.constant 0 : i32
    %scan3A_196 = arith.constant 256 : i32
    %scan3A_197 = arith.addi %scan3A_195, %scan3A_196 : i32
    %scan3A_198 = arith.constant 2 : i32
    scf.for %scan3A_266 = %scan3A_195 to %scan3A_197 step %scan3A_198  : i32 {
      %swap3A = arith.index_cast %scan3A_266 : i32 to index
      %swap3A_267 = arith.constant 0 : index
      %swap3A_268 = tpu.vector_load %arg14[%swap3A, %swap3A_267] {strides = array<i32>} : memref<256x128xf32, #tpu.memory_space<vmem>>, vector<1x16xf32>,
      %swap3A_269 = vector.shape_cast %swap3A_268 : vector<1x16xf32> to vector<16xf32>
      %swap3A_270 = vector.shape_cast %add3A_10 : vector<16xf32> to vector<1x16xf32>
      tpu.vector_store %arg14[%swap3A, %swap3A_267], %swap3A_270 {add = true, strides = array<i32>} : memref<256x128xf32, #tpu.memory_space<vmem>>, vector<1x16xf32>,
      %swap3A_271 = arith.index_cast %scan3A_266 : i32 to index
      %swap3A_272 = arith.constant 16 : index
      %swap3A_273 = tpu.vector_load %arg14[%swap3A_271, %swap3A_272] {strides = array<i32>} : memref<256x128xf32, #tpu.memory_space<vmem>>, vector<1x16xf32>,
      %swap3A_274 = vector.shape_cast %swap3A_273 : vector<1x16xf32> to vector<16xf32>
      %swap3A_275 = vector.shape_cast %add3A_19 : vector<16xf32> to vector<1x16xf32>
      tpu.vector_store %arg14[%swap3A_271, %swap3A_272], %swap3A_275 {add = true, strides = array<i32>} : memref<256x128xf32, #tpu.memory_space<vmem>>, vector<1x16xf32>,
      %swap3A_276 = arith.index_cast %scan3A_266 : i32 to index
      %swap3A_277 = arith.constant 32 : index
      %swap3A_278 = tpu.vector_load %arg14[%swap3A_276, %swap3A_277] {strides = array<i32>} : memref<256x128xf32, #tpu.memory_space<vmem>>, vector<1x16xf32>,
      %swap3A_279 = vector.shape_cast %swap3A_278 : vector<1x16xf32> to vector<16xf32>
      %swap3A_280 = vector.shape_cast %add3A_28 : vector<16xf32> to vector<1x16xf32>
      tpu.vector_store %arg14[%swap3A_276, %swap3A_277], %swap3A_280 {add = true, strides = array<i32>} : memref<256x128xf32, #tpu.memory_space<vmem>>, vector<1x16xf32>,
      %swap3A_281 = arith.index_cast %scan3A_266 : i32 to index
      %swap3A_282 = arith.constant 48 : index
      %swap3A_283 = tpu.vector_load %arg14[%swap3A_281, %swap3A_282] {strides = array<i32>} : memref<256x128xf32, #tpu.memory_space<vmem>>, vector<1x16xf32>,
      %swap3A_284 = vector.shape_cast %swap3A_283 : vector<1x16xf32> to vector<16xf32>
      %swap3A_285 = vector.shape_cast %add3A_37 : vector<16xf32> to vector<1x16xf32>
      tpu.vector_store %arg14[%swap3A_281, %swap3A_282], %swap3A_285 {add = true, strides = array<i32>} : memref<256x128xf32, #tpu.memory_space<vmem>>, vector<1x16xf32>,
      %swap3A_286 = arith.index_cast %scan3A_266 : i32 to index
      %swap3A_287 = arith.constant 64 : index
      %swap3A_288 = tpu.vector_load %arg14[%swap3A_286, %swap3A_287] {strides = array<i32>} : memref<256x128xf32, #tpu.memory_space<vmem>>, vector<1x16xf32>,
      %swap3A_289 = vector.shape_cast %swap3A_288 : vector<1x16xf32> to vector<16xf32>
      %swap3A_290 = vector.shape_cast %add3A_46 : vector<16xf32> to vector<1x16xf32>
      tpu.vector_store %arg14[%swap3A_286, %swap3A_287], %swap3A_290 {add = true, strides = array<i32>} : memref<256x128xf32, #tpu.memory_space<vmem>>, vector<1x16xf32>,
      %swap3A_291 = arith.index_cast %scan3A_266 : i32 to index
      %swap3A_292 = arith.constant 80 : index
      %swap3A_293 = tpu.vector_load %arg14[%swap3A_291, %swap3A_292] {strides = array<i32>} : memref<256x128xf32, #tpu.memory_space<vmem>>, vector<1x16xf32>,
      %swap3A_294 = vector.shape_cast %swap3A_293 : vector<1x16xf32> to vector<16xf32>
      %swap3A_295 = vector.shape_cast %add3A_55 : vector<16xf32> to vector<1x16xf32>
      tpu.vector_store %arg14[%swap3A_291, %swap3A_292], %swap3A_295 {add = true, strides = array<i32>} : memref<256x128xf32, #tpu.memory_space<vmem>>, vector<1x16xf32>,
      %swap3A_296 = arith.index_cast %scan3A_266 : i32 to index
      %swap3A_297 = arith.constant 96 : index
      %swap3A_298 = tpu.vector_load %arg14[%swap3A_296, %swap3A_297] {strides = array<i32>} : memref<256x128xf32, #tpu.memory_space<vmem>>, vector<1x16xf32>,
      %swap3A_299 = vector.shape_cast %swap3A_298 : vector<1x16xf32> to vector<16xf32>
      %swap3A_300 = vector.shape_cast %add3A_64 : vector<16xf32> to vector<1x16xf32>
      tpu.vector_store %arg14[%swap3A_296, %swap3A_297], %swap3A_300 {add = true, strides = array<i32>} : memref<256x128xf32, #tpu.memory_space<vmem>>, vector<1x16xf32>,
      %swap3A_301 = arith.index_cast %scan3A_266 : i32 to index
      %swap3A_302 = arith.constant 112 : index
      %swap3A_303 = tpu.vector_load %arg14[%swap3A_301, %swap3A_302] {strides = array<i32>} : memref<256x128xf32, #tpu.memory_space<vmem>>, vector<1x16xf32>,
      %swap3A_304 = vector.shape_cast %swap3A_303 : vector<1x16xf32> to vector<16xf32>
      %swap3A_305 = vector.shape_cast %add3A_73 : vector<16xf32> to vector<1x16xf32>
      tpu.vector_store %arg14[%swap3A_301, %swap3A_302], %swap3A_305 {add = true, strides = array<i32>} : memref<256x128xf32, #tpu.memory_space<vmem>>, vector<1x16xf32>,
      %scan3A_306 = arith.constant 1 : i32
      %scan3A_307 = arith.addi %scan3A_266, %scan3A_306 : i32
      %swap3A_308 = arith.index_cast %scan3A_307 : i32 to index
      %swap3A_309 = arith.constant 0 : index
      %swap3A_310 = tpu.vector_load %arg14[%swap3A_308, %swap3A_309] {strides = array<i32>} : memref<256x128xf32, #tpu.memory_space<vmem>>, vector<1x16xf32>,
      %swap3A_311 = vector.shape_cast %swap3A_310 : vector<1x16xf32> to vector<16xf32>
      %swap3A_312 = vector.shape_cast %add3A_10 : vector<16xf32> to vector<1x16xf32>
      tpu.vector_store %arg14[%swap3A_308, %swap3A_309], %swap3A_312 {add = true, strides = array<i32>} : memref<256x128xf32, #tpu.memory_space<vmem>>, vector<1x16xf32>,
      %swap3A_313 = arith.index_cast %scan3A_307 : i32 to index
      %swap3A_314 = arith.constant 16 : index
      %swap3A_315 = tpu.vector_load %arg14[%swap3A_313, %swap3A_314] {strides = array<i32>} : memref<256x128xf32, #tpu.memory_space<vmem>>, vector<1x16xf32>,
      %swap3A_316 = vector.shape_cast %swap3A_315 : vector<1x16xf32> to vector<16xf32>
      %swap3A_317 = vector.shape_cast %add3A_19 : vector<16xf32> to vector<1x16xf32>
      tpu.vector_store %arg14[%swap3A_313, %swap3A_314], %swap3A_317 {add = true, strides = array<i32>} : memref<256x128xf32, #tpu.memory_space<vmem>>, vector<1x16xf32>,
      %swap3A_318 = arith.index_cast %scan3A_307 : i32 to index
      %swap3A_319 = arith.constant 32 : index
      %swap3A_320 = tpu.vector_load %arg14[%swap3A_318, %swap3A_319] {strides = array<i32>} : memref<256x128xf32, #tpu.memory_space<vmem>>, vector<1x16xf32>,
      %swap3A_321 = vector.shape_cast %swap3A_320 : vector<1x16xf32> to vector<16xf32>
      %swap3A_322 = vector.shape_cast %add3A_28 : vector<16xf32> to vector<1x16xf32>
      tpu.vector_store %arg14[%swap3A_318, %swap3A_319], %swap3A_322 {add = true, strides = array<i32>} : memref<256x128xf32, #tpu.memory_space<vmem>>, vector<1x16xf32>,
      %swap3A_323 = arith.index_cast %scan3A_307 : i32 to index
      %swap3A_324 = arith.constant 48 : index
      %swap3A_325 = tpu.vector_load %arg14[%swap3A_323, %swap3A_324] {strides = array<i32>} : memref<256x128xf32, #tpu.memory_space<vmem>>, vector<1x16xf32>,
      %swap3A_326 = vector.shape_cast %swap3A_325 : vector<1x16xf32> to vector<16xf32>
      %swap3A_327 = vector.shape_cast %add3A_37 : vector<16xf32> to vector<1x16xf32>
      tpu.vector_store %arg14[%swap3A_323, %swap3A_324], %swap3A_327 {add = true, strides = array<i32>} : memref<256x128xf32, #tpu.memory_space<vmem>>, vector<1x16xf32>,
      %swap3A_328 = arith.index_cast %scan3A_307 : i32 to index
      %swap3A_329 = arith.constant 64 : index
      %swap3A_330 = tpu.vector_load %arg14[%swap3A_328, %swap3A_329] {strides = array<i32>} : memref<256x128xf32, #tpu.memory_space<vmem>>, vector<1x16xf32>,
      %swap3A_331 = vector.shape_cast %swap3A_330 : vector<1x16xf32> to vector<16xf32>
      %swap3A_332 = vector.shape_cast %add3A_46 : vector<16xf32> to vector<1x16xf32>
      tpu.vector_store %arg14[%swap3A_328, %swap3A_329], %swap3A_332 {add = true, strides = array<i32>} : memref<256x128xf32, #tpu.memory_space<vmem>>, vector<1x16xf32>,
      %swap3A_333 = arith.index_cast %scan3A_307 : i32 to index
      %swap3A_334 = arith.constant 80 : index
      %swap3A_335 = tpu.vector_load %arg14[%swap3A_333, %swap3A_334] {strides = array<i32>} : memref<256x128xf32, #tpu.memory_space<vmem>>, vector<1x16xf32>,
      %swap3A_336 = vector.shape_cast %swap3A_335 : vector<1x16xf32> to vector<16xf32>
      %swap3A_337 = vector.shape_cast %add3A_55 : vector<16xf32> to vector<1x16xf32>
      tpu.vector_store %arg14[%swap3A_333, %swap3A_334], %swap3A_337 {add = true, strides = array<i32>} : memref<256x128xf32, #tpu.memory_space<vmem>>, vector<1x16xf32>,
      %swap3A_338 = arith.index_cast %scan3A_307 : i32 to index
      %swap3A_339 = arith.constant 96 : index
      %swap3A_340 = tpu.vector_load %arg14[%swap3A_338, %swap3A_339] {strides = array<i32>} : memref<256x128xf32, #tpu.memory_space<vmem>>, vector<1x16xf32>,
      %swap3A_341 = vector.shape_cast %swap3A_340 : vector<1x16xf32> to vector<16xf32>
      %swap3A_342 = vector.shape_cast %add3A_64 : vector<16xf32> to vector<1x16xf32>
      tpu.vector_store %arg14[%swap3A_338, %swap3A_339], %swap3A_342 {add = true, strides = array<i32>} : memref<256x128xf32, #tpu.memory_space<vmem>>, vector<1x16xf32>,
      %swap3A_343 = arith.index_cast %scan3A_307 : i32 to index
      %swap3A_344 = arith.constant 112 : index
      %swap3A_345 = tpu.vector_load %arg14[%swap3A_343, %swap3A_344] {strides = array<i32>} : memref<256x128xf32, #tpu.memory_space<vmem>>, vector<1x16xf32>,
      %swap3A_346 = vector.shape_cast %swap3A_345 : vector<1x16xf32> to vector<16xf32>
      %swap3A_347 = vector.shape_cast %add3A_73 : vector<16xf32> to vector<1x16xf32>
      tpu.vector_store %arg14[%swap3A_343, %swap3A_344], %swap3A_347 {add = true, strides = array<i32>} : memref<256x128xf32, #tpu.memory_space<vmem>>, vector<1x16xf32>,
    }
    %scan3A_199 = arith.constant 256 : i32
    %add3A_200 = arith.constant 256 : i32
    %add3A_201 = arith.addi %mul3A_2, %add3A_200 : i32
    %dma_start3A_202 = arith.constant 0 : i32
    %dma_start3A_203 = arith.constant 0 : i32
    %dma_start3A_204 = tpu.memref_slice %arg9[%dma_start3A_202, %add3A_201, %dma_start3A_203] : memref<2x16384x128xf32, #tpu.memory_space<hbm>> -> memref<1x256x128xf32, #tpu.memory_space<hbm>>
    %dma_start3A_205 = tpu.memref_squeeze %dma_start3A_204 : memref<1x256x128xf32, #tpu.memory_space<hbm>> -> memref<256x128xf32, #tpu.memory_space<hbm>>
    %dma_start3A_206 = arith.constant 0 : i32
    %dma_start3A_207 = tpu.memref_slice %arg9[%dma_start3A_202, %add3A_201, %dma_start3A_206] : memref<2x16384x128xf32, #tpu.memory_space<hbm>> -> memref<1x256x128xf32, #tpu.memory_space<hbm>>
    %dma_start3A_208 = tpu.memref_squeeze %dma_start3A_207 : memref<1x256x128xf32, #tpu.memory_space<hbm>> -> memref<256x128xf32, #tpu.memory_space<hbm>>
    tpu.enqueue_dma source(%arg14 : memref<256x128xf32, #tpu.memory_space<vmem>>) target(%dma_start3A_208 : memref<256x128xf32, #tpu.memory_space<hbm>>) target_semaphore(%arg23 : memref<!tpu.dma_semaphore, #tpu.memory_space<semaphore_mem>>)
    %dma_wait3A_209 = arith.constant 0 : i32
    %dma_wait3A_210 = arith.constant 0 : i32
    %dma_wait3A_211 = tpu.memref_slice %arg5[%dma_wait3A_209, %dma_wait3A_210] : memref<100001x128xf32, #tpu.memory_space<hbm>> -> memref<100001x128xf32, #tpu.memory_space<hbm>>
    tpu.wait_indirect_dma semaphore(%arg21 : memref<!tpu.dma_semaphore, #tpu.memory_space<semaphore_mem>>) src(%dma_wait3A_211 : memref<100001x128xf32, #tpu.memory_space<hbm>>) dst(%arg15 : memref<256x128xf32, #tpu.memory_space<vmem>>)
    %scan3A_212 = arith.constant 0 : i32
    %scan3A_213 = arith.constant 0 : i32
    %scan3A_214 = arith.constant 256 : i32
    %scan3A_215 = arith.addi %scan3A_213, %scan3A_214 : i32
    %scan3A_216 = arith.constant 2 : i32
    scf.for %scan3A_266 = %scan3A_213 to %scan3A_215 step %scan3A_216  : i32 {
      %swap3A = arith.index_cast %scan3A_266 : i32 to index
      %swap3A_267 = arith.constant 0 : index
      %swap3A_268 = tpu.vector_load %arg15[%swap3A, %swap3A_267] {strides = array<i32>} : memref<256x128xf32, #tpu.memory_space<vmem>>, vector<1x16xf32>,
      %swap3A_269 = vector.shape_cast %swap3A_268 : vector<1x16xf32> to vector<16xf32>
      %swap3A_270 = vector.shape_cast %add3A_82 : vector<16xf32> to vector<1x16xf32>
      tpu.vector_store %arg15[%swap3A, %swap3A_267], %swap3A_270 {add = true, strides = array<i32>} : memref<256x128xf32, #tpu.memory_space<vmem>>, vector<1x16xf32>,
      %swap3A_271 = arith.index_cast %scan3A_266 : i32 to index
      %swap3A_272 = arith.constant 16 : index
      %swap3A_273 = tpu.vector_load %arg15[%swap3A_271, %swap3A_272] {strides = array<i32>} : memref<256x128xf32, #tpu.memory_space<vmem>>, vector<1x16xf32>,
      %swap3A_274 = vector.shape_cast %swap3A_273 : vector<1x16xf32> to vector<16xf32>
      %swap3A_275 = vector.shape_cast %add3A_91 : vector<16xf32> to vector<1x16xf32>
      tpu.vector_store %arg15[%swap3A_271, %swap3A_272], %swap3A_275 {add = true, strides = array<i32>} : memref<256x128xf32, #tpu.memory_space<vmem>>, vector<1x16xf32>,
      %swap3A_276 = arith.index_cast %scan3A_266 : i32 to index
      %swap3A_277 = arith.constant 32 : index
      %swap3A_278 = tpu.vector_load %arg15[%swap3A_276, %swap3A_277] {strides = array<i32>} : memref<256x128xf32, #tpu.memory_space<vmem>>, vector<1x16xf32>,
      %swap3A_279 = vector.shape_cast %swap3A_278 : vector<1x16xf32> to vector<16xf32>
      %swap3A_280 = vector.shape_cast %add3A_100 : vector<16xf32> to vector<1x16xf32>
      tpu.vector_store %arg15[%swap3A_276, %swap3A_277], %swap3A_280 {add = true, strides = array<i32>} : memref<256x128xf32, #tpu.memory_space<vmem>>, vector<1x16xf32>,
      %swap3A_281 = arith.index_cast %scan3A_266 : i32 to index
      %swap3A_282 = arith.constant 48 : index
      %swap3A_283 = tpu.vector_load %arg15[%swap3A_281, %swap3A_282] {strides = array<i32>} : memref<256x128xf32, #tpu.memory_space<vmem>>, vector<1x16xf32>,
      %swap3A_284 = vector.shape_cast %swap3A_283 : vector<1x16xf32> to vector<16xf32>
      %swap3A_285 = vector.shape_cast %add3A_109 : vector<16xf32> to vector<1x16xf32>
      tpu.vector_store %arg15[%swap3A_281, %swap3A_282], %swap3A_285 {add = true, strides = array<i32>} : memref<256x128xf32, #tpu.memory_space<vmem>>, vector<1x16xf32>,
      %swap3A_286 = arith.index_cast %scan3A_266 : i32 to index
      %swap3A_287 = arith.constant 64 : index
      %swap3A_288 = tpu.vector_load %arg15[%swap3A_286, %swap3A_287] {strides = array<i32>} : memref<256x128xf32, #tpu.memory_space<vmem>>, vector<1x16xf32>,
      %swap3A_289 = vector.shape_cast %swap3A_288 : vector<1x16xf32> to vector<16xf32>
      %swap3A_290 = vector.shape_cast %add3A_118 : vector<16xf32> to vector<1x16xf32>
      tpu.vector_store %arg15[%swap3A_286, %swap3A_287], %swap3A_290 {add = true, strides = array<i32>} : memref<256x128xf32, #tpu.memory_space<vmem>>, vector<1x16xf32>,
      %swap3A_291 = arith.index_cast %scan3A_266 : i32 to index
      %swap3A_292 = arith.constant 80 : index
      %swap3A_293 = tpu.vector_load %arg15[%swap3A_291, %swap3A_292] {strides = array<i32>} : memref<256x128xf32, #tpu.memory_space<vmem>>, vector<1x16xf32>,
      %swap3A_294 = vector.shape_cast %swap3A_293 : vector<1x16xf32> to vector<16xf32>
      %swap3A_295 = vector.shape_cast %add3A_127 : vector<16xf32> to vector<1x16xf32>
      tpu.vector_store %arg15[%swap3A_291, %swap3A_292], %swap3A_295 {add = true, strides = array<i32>} : memref<256x128xf32, #tpu.memory_space<vmem>>, vector<1x16xf32>,
      %swap3A_296 = arith.index_cast %scan3A_266 : i32 to index
      %swap3A_297 = arith.constant 96 : index
      %swap3A_298 = tpu.vector_load %arg15[%swap3A_296, %swap3A_297] {strides = array<i32>} : memref<256x128xf32, #tpu.memory_space<vmem>>, vector<1x16xf32>,
      %swap3A_299 = vector.shape_cast %swap3A_298 : vector<1x16xf32> to vector<16xf32>
      %swap3A_300 = vector.shape_cast %add3A_136 : vector<16xf32> to vector<1x16xf32>
      tpu.vector_store %arg15[%swap3A_296, %swap3A_297], %swap3A_300 {add = true, strides = array<i32>} : memref<256x128xf32, #tpu.memory_space<vmem>>, vector<1x16xf32>,
      %swap3A_301 = arith.index_cast %scan3A_266 : i32 to index
      %swap3A_302 = arith.constant 112 : index
      %swap3A_303 = tpu.vector_load %arg15[%swap3A_301, %swap3A_302] {strides = array<i32>} : memref<256x128xf32, #tpu.memory_space<vmem>>, vector<1x16xf32>,
      %swap3A_304 = vector.shape_cast %swap3A_303 : vector<1x16xf32> to vector<16xf32>
      %swap3A_305 = vector.shape_cast %add3A_145 : vector<16xf32> to vector<1x16xf32>
      tpu.vector_store %arg15[%swap3A_301, %swap3A_302], %swap3A_305 {add = true, strides = array<i32>} : memref<256x128xf32, #tpu.memory_space<vmem>>, vector<1x16xf32>,
      %scan3A_306 = arith.constant 1 : i32
      %scan3A_307 = arith.addi %scan3A_266, %scan3A_306 : i32
      %swap3A_308 = arith.index_cast %scan3A_307 : i32 to index
      %swap3A_309 = arith.constant 0 : index
      %swap3A_310 = tpu.vector_load %arg15[%swap3A_308, %swap3A_309] {strides = array<i32>} : memref<256x128xf32, #tpu.memory_space<vmem>>, vector<1x16xf32>,
      %swap3A_311 = vector.shape_cast %swap3A_310 : vector<1x16xf32> to vector<16xf32>
      %swap3A_312 = vector.shape_cast %add3A_82 : vector<16xf32> to vector<1x16xf32>
      tpu.vector_store %arg15[%swap3A_308, %swap3A_309], %swap3A_312 {add = true, strides = array<i32>} : memref<256x128xf32, #tpu.memory_space<vmem>>, vector<1x16xf32>,
      %swap3A_313 = arith.index_cast %scan3A_307 : i32 to index
      %swap3A_314 = arith.constant 16 : index
      %swap3A_315 = tpu.vector_load %arg15[%swap3A_313, %swap3A_314] {strides = array<i32>} : memref<256x128xf32, #tpu.memory_space<vmem>>, vector<1x16xf32>,
      %swap3A_316 = vector.shape_cast %swap3A_315 : vector<1x16xf32> to vector<16xf32>
      %swap3A_317 = vector.shape_cast %add3A_91 : vector<16xf32> to vector<1x16xf32>
      tpu.vector_store %arg15[%swap3A_313, %swap3A_314], %swap3A_317 {add = true, strides = array<i32>} : memref<256x128xf32, #tpu.memory_space<vmem>>, vector<1x16xf32>,
      %swap3A_318 = arith.index_cast %scan3A_307 : i32 to index
      %swap3A_319 = arith.constant 32 : index
      %swap3A_320 = tpu.vector_load %arg15[%swap3A_318, %swap3A_319] {strides = array<i32>} : memref<256x128xf32, #tpu.memory_space<vmem>>, vector<1x16xf32>,
      %swap3A_321 = vector.shape_cast %swap3A_320 : vector<1x16xf32> to vector<16xf32>
      %swap3A_322 = vector.shape_cast %add3A_100 : vector<16xf32> to vector<1x16xf32>
      tpu.vector_store %arg15[%swap3A_318, %swap3A_319], %swap3A_322 {add = true, strides = array<i32>} : memref<256x128xf32, #tpu.memory_space<vmem>>, vector<1x16xf32>,
      %swap3A_323 = arith.index_cast %scan3A_307 : i32 to index
      %swap3A_324 = arith.constant 48 : index
      %swap3A_325 = tpu.vector_load %arg15[%swap3A_323, %swap3A_324] {strides = array<i32>} : memref<256x128xf32, #tpu.memory_space<vmem>>, vector<1x16xf32>,
      %swap3A_326 = vector.shape_cast %swap3A_325 : vector<1x16xf32> to vector<16xf32>
      %swap3A_327 = vector.shape_cast %add3A_109 : vector<16xf32> to vector<1x16xf32>
      tpu.vector_store %arg15[%swap3A_323, %swap3A_324], %swap3A_327 {add = true, strides = array<i32>} : memref<256x128xf32, #tpu.memory_space<vmem>>, vector<1x16xf32>,
      %swap3A_328 = arith.index_cast %scan3A_307 : i32 to index
      %swap3A_329 = arith.constant 64 : index
      %swap3A_330 = tpu.vector_load %arg15[%swap3A_328, %swap3A_329] {strides = array<i32>} : memref<256x128xf32, #tpu.memory_space<vmem>>, vector<1x16xf32>,
      %swap3A_331 = vector.shape_cast %swap3A_330 : vector<1x16xf32> to vector<16xf32>
      %swap3A_332 = vector.shape_cast %add3A_118 : vector<16xf32> to vector<1x16xf32>
      tpu.vector_store %arg15[%swap3A_328, %swap3A_329], %swap3A_332 {add = true, strides = array<i32>} : memref<256x128xf32, #tpu.memory_space<vmem>>, vector<1x16xf32>,
      %swap3A_333 = arith.index_cast %scan3A_307 : i32 to index
      %swap3A_334 = arith.constant 80 : index
      %swap3A_335 = tpu.vector_load %arg15[%swap3A_333, %swap3A_334] {strides = array<i32>} : memref<256x128xf32, #tpu.memory_space<vmem>>, vector<1x16xf32>,
      %swap3A_336 = vector.shape_cast %swap3A_335 : vector<1x16xf32> to vector<16xf32>
      %swap3A_337 = vector.shape_cast %add3A_127 : vector<16xf32> to vector<1x16xf32>
      tpu.vector_store %arg15[%swap3A_333, %swap3A_334], %swap3A_337 {add = true, strides = array<i32>} : memref<256x128xf32, #tpu.memory_space<vmem>>, vector<1x16xf32>,
      %swap3A_338 = arith.index_cast %scan3A_307 : i32 to index
      %swap3A_339 = arith.constant 96 : index
      %swap3A_340 = tpu.vector_load %arg15[%swap3A_338, %swap3A_339] {strides = array<i32>} : memref<256x128xf32, #tpu.memory_space<vmem>>, vector<1x16xf32>,
      %swap3A_341 = vector.shape_cast %swap3A_340 : vector<1x16xf32> to vector<16xf32>
      %swap3A_342 = vector.shape_cast %add3A_136 : vector<16xf32> to vector<1x16xf32>
      tpu.vector_store %arg15[%swap3A_338, %swap3A_339], %swap3A_342 {add = true, strides = array<i32>} : memref<256x128xf32, #tpu.memory_space<vmem>>, vector<1x16xf32>,
      %swap3A_343 = arith.index_cast %scan3A_307 : i32 to index
      %swap3A_344 = arith.constant 112 : index
      %swap3A_345 = tpu.vector_load %arg15[%swap3A_343, %swap3A_344] {strides = array<i32>} : memref<256x128xf32, #tpu.memory_space<vmem>>, vector<1x16xf32>,
      %swap3A_346 = vector.shape_cast %swap3A_345 : vector<1x16xf32> to vector<16xf32>
      %swap3A_347 = vector.shape_cast %add3A_145 : vector<16xf32> to vector<1x16xf32>
      tpu.vector_store %arg15[%swap3A_343, %swap3A_344], %swap3A_347 {add = true, strides = array<i32>} : memref<256x128xf32, #tpu.memory_space<vmem>>, vector<1x16xf32>,
    }
    %scan3A_217 = arith.constant 256 : i32
    %add3A_218 = arith.constant 0 : i32
    %add3A_219 = arith.addi %mul3A_2, %add3A_218 : i32
    %dma_start3A_220 = arith.constant 1 : i32
    %dma_start3A_221 = arith.constant 0 : i32
    %dma_start3A_222 = tpu.memref_slice %arg9[%dma_start3A_220, %add3A_219, %dma_start3A_221] : memref<2x16384x128xf32, #tpu.memory_space<hbm>> -> memref<1x256x128xf32, #tpu.memory_space<hbm>>
    %dma_start3A_223 = tpu.memref_squeeze %dma_start3A_222 : memref<1x256x128xf32, #tpu.memory_space<hbm>> -> memref<256x128xf32, #tpu.memory_space<hbm>>
    %dma_start3A_224 = arith.constant 0 : i32
    %dma_start3A_225 = tpu.memref_slice %arg9[%dma_start3A_220, %add3A_219, %dma_start3A_224] : memref<2x16384x128xf32, #tpu.memory_space<hbm>> -> memref<1x256x128xf32, #tpu.memory_space<hbm>>
    %dma_start3A_226 = tpu.memref_squeeze %dma_start3A_225 : memref<1x256x128xf32, #tpu.memory_space<hbm>> -> memref<256x128xf32, #tpu.memory_space<hbm>>
    tpu.enqueue_dma source(%arg15 : memref<256x128xf32, #tpu.memory_space<vmem>>) target(%dma_start3A_226 : memref<256x128xf32, #tpu.memory_space<hbm>>) target_semaphore(%arg24 : memref<!tpu.dma_semaphore, #tpu.memory_space<semaphore_mem>>)
    %dma_wait3A_227 = arith.constant 0 : i32
    %dma_wait3A_228 = arith.constant 0 : i32
    %dma_wait3A_229 = tpu.memref_slice %arg5[%dma_wait3A_227, %dma_wait3A_228] : memref<100001x128xf32, #tpu.memory_space<hbm>> -> memref<100001x128xf32, #tpu.memory_space<hbm>>
    tpu.wait_indirect_dma semaphore(%arg19 : memref<!tpu.dma_semaphore, #tpu.memory_space<semaphore_mem>>) src(%dma_wait3A_229 : memref<100001x128xf32, #tpu.memory_space<hbm>>) dst(%arg13 : memref<256x128xf32, #tpu.memory_space<vmem>>)
    %scan3A_230 = arith.constant 0 : i32
    %scan3A_231 = arith.constant 0 : i32
    %scan3A_232 = arith.constant 256 : i32
    %scan3A_233 = arith.addi %scan3A_231, %scan3A_232 : i32
    %scan3A_234 = arith.constant 2 : i32
    scf.for %scan3A_266 = %scan3A_231 to %scan3A_233 step %scan3A_234  : i32 {
      %swap3A = arith.index_cast %scan3A_266 : i32 to index
      %swap3A_267 = arith.constant 0 : index
      %swap3A_268 = tpu.vector_load %arg13[%swap3A, %swap3A_267] {strides = array<i32>} : memref<256x128xf32, #tpu.memory_space<vmem>>, vector<1x16xf32>,
      %swap3A_269 = vector.shape_cast %swap3A_268 : vector<1x16xf32> to vector<16xf32>
      %swap3A_270 = vector.shape_cast %add3A_82 : vector<16xf32> to vector<1x16xf32>
      tpu.vector_store %arg13[%swap3A, %swap3A_267], %swap3A_270 {add = true, strides = array<i32>} : memref<256x128xf32, #tpu.memory_space<vmem>>, vector<1x16xf32>,
      %swap3A_271 = arith.index_cast %scan3A_266 : i32 to index
      %swap3A_272 = arith.constant 16 : index
      %swap3A_273 = tpu.vector_load %arg13[%swap3A_271, %swap3A_272] {strides = array<i32>} : memref<256x128xf32, #tpu.memory_space<vmem>>, vector<1x16xf32>,
      %swap3A_274 = vector.shape_cast %swap3A_273 : vector<1x16xf32> to vector<16xf32>
      %swap3A_275 = vector.shape_cast %add3A_91 : vector<16xf32> to vector<1x16xf32>
      tpu.vector_store %arg13[%swap3A_271, %swap3A_272], %swap3A_275 {add = true, strides = array<i32>} : memref<256x128xf32, #tpu.memory_space<vmem>>, vector<1x16xf32>,
      %swap3A_276 = arith.index_cast %scan3A_266 : i32 to index
      %swap3A_277 = arith.constant 32 : index
      %swap3A_278 = tpu.vector_load %arg13[%swap3A_276, %swap3A_277] {strides = array<i32>} : memref<256x128xf32, #tpu.memory_space<vmem>>, vector<1x16xf32>,
      %swap3A_279 = vector.shape_cast %swap3A_278 : vector<1x16xf32> to vector<16xf32>
      %swap3A_280 = vector.shape_cast %add3A_100 : vector<16xf32> to vector<1x16xf32>
      tpu.vector_store %arg13[%swap3A_276, %swap3A_277], %swap3A_280 {add = true, strides = array<i32>} : memref<256x128xf32, #tpu.memory_space<vmem>>, vector<1x16xf32>,
      %swap3A_281 = arith.index_cast %scan3A_266 : i32 to index
      %swap3A_282 = arith.constant 48 : index
      %swap3A_283 = tpu.vector_load %arg13[%swap3A_281, %swap3A_282] {strides = array<i32>} : memref<256x128xf32, #tpu.memory_space<vmem>>, vector<1x16xf32>,
      %swap3A_284 = vector.shape_cast %swap3A_283 : vector<1x16xf32> to vector<16xf32>
      %swap3A_285 = vector.shape_cast %add3A_109 : vector<16xf32> to vector<1x16xf32>
      tpu.vector_store %arg13[%swap3A_281, %swap3A_282], %swap3A_285 {add = true, strides = array<i32>} : memref<256x128xf32, #tpu.memory_space<vmem>>, vector<1x16xf32>,
      %swap3A_286 = arith.index_cast %scan3A_266 : i32 to index
      %swap3A_287 = arith.constant 64 : index
      %swap3A_288 = tpu.vector_load %arg13[%swap3A_286, %swap3A_287] {strides = array<i32>} : memref<256x128xf32, #tpu.memory_space<vmem>>, vector<1x16xf32>,
      %swap3A_289 = vector.shape_cast %swap3A_288 : vector<1x16xf32> to vector<16xf32>
      %swap3A_290 = vector.shape_cast %add3A_118 : vector<16xf32> to vector<1x16xf32>
      tpu.vector_store %arg13[%swap3A_286, %swap3A_287], %swap3A_290 {add = true, strides = array<i32>} : memref<256x128xf32, #tpu.memory_space<vmem>>, vector<1x16xf32>,
      %swap3A_291 = arith.index_cast %scan3A_266 : i32 to index
      %swap3A_292 = arith.constant 80 : index
      %swap3A_293 = tpu.vector_load %arg13[%swap3A_291, %swap3A_292] {strides = array<i32>} : memref<256x128xf32, #tpu.memory_space<vmem>>, vector<1x16xf32>,
      %swap3A_294 = vector.shape_cast %swap3A_293 : vector<1x16xf32> to vector<16xf32>
      %swap3A_295 = vector.shape_cast %add3A_127 : vector<16xf32> to vector<1x16xf32>
      tpu.vector_store %arg13[%swap3A_291, %swap3A_292], %swap3A_295 {add = true, strides = array<i32>} : memref<256x128xf32, #tpu.memory_space<vmem>>, vector<1x16xf32>,
      %swap3A_296 = arith.index_cast %scan3A_266 : i32 to index
      %swap3A_297 = arith.constant 96 : index
      %swap3A_298 = tpu.vector_load %arg13[%swap3A_296, %swap3A_297] {strides = array<i32>} : memref<256x128xf32, #tpu.memory_space<vmem>>, vector<1x16xf32>,
      %swap3A_299 = vector.shape_cast %swap3A_298 : vector<1x16xf32> to vector<16xf32>
      %swap3A_300 = vector.shape_cast %add3A_136 : vector<16xf32> to vector<1x16xf32>
      tpu.vector_store %arg13[%swap3A_296, %swap3A_297], %swap3A_300 {add = true, strides = array<i32>} : memref<256x128xf32, #tpu.memory_space<vmem>>, vector<1x16xf32>,
      %swap3A_301 = arith.index_cast %scan3A_266 : i32 to index
      %swap3A_302 = arith.constant 112 : index
      %swap3A_303 = tpu.vector_load %arg13[%swap3A_301, %swap3A_302] {strides = array<i32>} : memref<256x128xf32, #tpu.memory_space<vmem>>, vector<1x16xf32>,
      %swap3A_304 = vector.shape_cast %swap3A_303 : vector<1x16xf32> to vector<16xf32>
      %swap3A_305 = vector.shape_cast %add3A_145 : vector<16xf32> to vector<1x16xf32>
      tpu.vector_store %arg13[%swap3A_301, %swap3A_302], %swap3A_305 {add = true, strides = array<i32>} : memref<256x128xf32, #tpu.memory_space<vmem>>, vector<1x16xf32>,
      %scan3A_306 = arith.constant 1 : i32
      %scan3A_307 = arith.addi %scan3A_266, %scan3A_306 : i32
      %swap3A_308 = arith.index_cast %scan3A_307 : i32 to index
      %swap3A_309 = arith.constant 0 : index
      %swap3A_310 = tpu.vector_load %arg13[%swap3A_308, %swap3A_309] {strides = array<i32>} : memref<256x128xf32, #tpu.memory_space<vmem>>, vector<1x16xf32>,
      %swap3A_311 = vector.shape_cast %swap3A_310 : vector<1x16xf32> to vector<16xf32>
      %swap3A_312 = vector.shape_cast %add3A_82 : vector<16xf32> to vector<1x16xf32>
      tpu.vector_store %arg13[%swap3A_308, %swap3A_309], %swap3A_312 {add = true, strides = array<i32>} : memref<256x128xf32, #tpu.memory_space<vmem>>, vector<1x16xf32>,
      %swap3A_313 = arith.index_cast %scan3A_307 : i32 to index
      %swap3A_314 = arith.constant 16 : index
      %swap3A_315 = tpu.vector_load %arg13[%swap3A_313, %swap3A_314] {strides = array<i32>} : memref<256x128xf32, #tpu.memory_space<vmem>>, vector<1x16xf32>,
      %swap3A_316 = vector.shape_cast %swap3A_315 : vector<1x16xf32> to vector<16xf32>
      %swap3A_317 = vector.shape_cast %add3A_91 : vector<16xf32> to vector<1x16xf32>
      tpu.vector_store %arg13[%swap3A_313, %swap3A_314], %swap3A_317 {add = true, strides = array<i32>} : memref<256x128xf32, #tpu.memory_space<vmem>>, vector<1x16xf32>,
      %swap3A_318 = arith.index_cast %scan3A_307 : i32 to index
      %swap3A_319 = arith.constant 32 : index
      %swap3A_320 = tpu.vector_load %arg13[%swap3A_318, %swap3A_319] {strides = array<i32>} : memref<256x128xf32, #tpu.memory_space<vmem>>, vector<1x16xf32>,
      %swap3A_321 = vector.shape_cast %swap3A_320 : vector<1x16xf32> to vector<16xf32>
      %swap3A_322 = vector.shape_cast %add3A_100 : vector<16xf32> to vector<1x16xf32>
      tpu.vector_store %arg13[%swap3A_318, %swap3A_319], %swap3A_322 {add = true, strides = array<i32>} : memref<256x128xf32, #tpu.memory_space<vmem>>, vector<1x16xf32>,
      %swap3A_323 = arith.index_cast %scan3A_307 : i32 to index
      %swap3A_324 = arith.constant 48 : index
      %swap3A_325 = tpu.vector_load %arg13[%swap3A_323, %swap3A_324] {strides = array<i32>} : memref<256x128xf32, #tpu.memory_space<vmem>>, vector<1x16xf32>,
      %swap3A_326 = vector.shape_cast %swap3A_325 : vector<1x16xf32> to vector<16xf32>
      %swap3A_327 = vector.shape_cast %add3A_109 : vector<16xf32> to vector<1x16xf32>
      tpu.vector_store %arg13[%swap3A_323, %swap3A_324], %swap3A_327 {add = true, strides = array<i32>} : memref<256x128xf32, #tpu.memory_space<vmem>>, vector<1x16xf32>,
      %swap3A_328 = arith.index_cast %scan3A_307 : i32 to index
      %swap3A_329 = arith.constant 64 : index
      %swap3A_330 = tpu.vector_load %arg13[%swap3A_328, %swap3A_329] {strides = array<i32>} : memref<256x128xf32, #tpu.memory_space<vmem>>, vector<1x16xf32>,
      %swap3A_331 = vector.shape_cast %swap3A_330 : vector<1x16xf32> to vector<16xf32>
      %swap3A_332 = vector.shape_cast %add3A_118 : vector<16xf32> to vector<1x16xf32>
      tpu.vector_store %arg13[%swap3A_328, %swap3A_329], %swap3A_332 {add = true, strides = array<i32>} : memref<256x128xf32, #tpu.memory_space<vmem>>, vector<1x16xf32>,
      %swap3A_333 = arith.index_cast %scan3A_307 : i32 to index
      %swap3A_334 = arith.constant 80 : index
      %swap3A_335 = tpu.vector_load %arg13[%swap3A_333, %swap3A_334] {strides = array<i32>} : memref<256x128xf32, #tpu.memory_space<vmem>>, vector<1x16xf32>,
      %swap3A_336 = vector.shape_cast %swap3A_335 : vector<1x16xf32> to vector<16xf32>
      %swap3A_337 = vector.shape_cast %add3A_127 : vector<16xf32> to vector<1x16xf32>
      tpu.vector_store %arg13[%swap3A_333, %swap3A_334], %swap3A_337 {add = true, strides = array<i32>} : memref<256x128xf32, #tpu.memory_space<vmem>>, vector<1x16xf32>,
      %swap3A_338 = arith.index_cast %scan3A_307 : i32 to index
      %swap3A_339 = arith.constant 96 : index
      %swap3A_340 = tpu.vector_load %arg13[%swap3A_338, %swap3A_339] {strides = array<i32>} : memref<256x128xf32, #tpu.memory_space<vmem>>, vector<1x16xf32>,
      %swap3A_341 = vector.shape_cast %swap3A_340 : vector<1x16xf32> to vector<16xf32>
      %swap3A_342 = vector.shape_cast %add3A_136 : vector<16xf32> to vector<1x16xf32>
      tpu.vector_store %arg13[%swap3A_338, %swap3A_339], %swap3A_342 {add = true, strides = array<i32>} : memref<256x128xf32, #tpu.memory_space<vmem>>, vector<1x16xf32>,
      %swap3A_343 = arith.index_cast %scan3A_307 : i32 to index
      %swap3A_344 = arith.constant 112 : index
      %swap3A_345 = tpu.vector_load %arg13[%swap3A_343, %swap3A_344] {strides = array<i32>} : memref<256x128xf32, #tpu.memory_space<vmem>>, vector<1x16xf32>,
      %swap3A_346 = vector.shape_cast %swap3A_345 : vector<1x16xf32> to vector<16xf32>
      %swap3A_347 = vector.shape_cast %add3A_145 : vector<16xf32> to vector<1x16xf32>
      tpu.vector_store %arg13[%swap3A_343, %swap3A_344], %swap3A_347 {add = true, strides = array<i32>} : memref<256x128xf32, #tpu.memory_space<vmem>>, vector<1x16xf32>,
    }
    %scan3A_235 = arith.constant 256 : i32
    %add3A_236 = arith.constant 256 : i32
    %add3A_237 = arith.addi %mul3A_2, %add3A_236 : i32
    %dma_start3A_238 = arith.constant 1 : i32
    %dma_start3A_239 = arith.constant 0 : i32
    %dma_start3A_240 = tpu.memref_slice %arg9[%dma_start3A_238, %add3A_237, %dma_start3A_239] : memref<2x16384x128xf32, #tpu.memory_space<hbm>> -> memref<1x256x128xf32, #tpu.memory_space<hbm>>
    %dma_start3A_241 = tpu.memref_squeeze %dma_start3A_240 : memref<1x256x128xf32, #tpu.memory_space<hbm>> -> memref<256x128xf32, #tpu.memory_space<hbm>>
    %dma_start3A_242 = arith.constant 0 : i32
    %dma_start3A_243 = tpu.memref_slice %arg9[%dma_start3A_238, %add3A_237, %dma_start3A_242] : memref<2x16384x128xf32, #tpu.memory_space<hbm>> -> memref<1x256x128xf32, #tpu.memory_space<hbm>>
    %dma_start3A_244 = tpu.memref_squeeze %dma_start3A_243 : memref<1x256x128xf32, #tpu.memory_space<hbm>> -> memref<256x128xf32, #tpu.memory_space<hbm>>
    tpu.enqueue_dma source(%arg13 : memref<256x128xf32, #tpu.memory_space<vmem>>) target(%dma_start3A_244 : memref<256x128xf32, #tpu.memory_space<hbm>>) target_semaphore(%arg22 : memref<!tpu.dma_semaphore, #tpu.memory_space<semaphore_mem>>)
    %dma_wait3A_245 = arith.constant 1 : i32
    %dma_wait3A_246 = arith.constant 0 : i32
    %dma_wait3A_247 = tpu.memref_slice %arg9[%dma_wait3A_245, %add3A_237, %dma_wait3A_246] : memref<2x16384x128xf32, #tpu.memory_space<hbm>> -> memref<1x256x128xf32, #tpu.memory_space<hbm>>
    %dma_wait3A_248 = tpu.memref_squeeze %dma_wait3A_247 : memref<1x256x128xf32, #tpu.memory_space<hbm>> -> memref<256x128xf32, #tpu.memory_space<hbm>>
    %dma_wait3A_249 = arith.constant 0 : i32
    %dma_wait3A_250 = tpu.memref_slice %arg9[%dma_wait3A_245, %add3A_237, %dma_wait3A_249] : memref<2x16384x128xf32, #tpu.memory_space<hbm>> -> memref<1x256x128xf32, #tpu.memory_space<hbm>>
    %dma_wait3A_251 = tpu.memref_squeeze %dma_wait3A_250 : memref<1x256x128xf32, #tpu.memory_space<hbm>> -> memref<256x128xf32, #tpu.memory_space<hbm>>
    tpu.wait_dma2 semaphore(%arg22 : memref<!tpu.dma_semaphore, #tpu.memory_space<semaphore_mem>>) src(%arg13 : memref<256x128xf32, #tpu.memory_space<vmem>>) dst(%dma_wait3A_251 : memref<256x128xf32, #tpu.memory_space<hbm>>)
    %dma_wait3A_252 = arith.constant 0 : i32
    %dma_wait3A_253 = arith.constant 0 : i32
    %dma_wait3A_254 = tpu.memref_slice %arg9[%dma_wait3A_252, %add3A_201, %dma_wait3A_253] : memref<2x16384x128xf32, #tpu.memory_space<hbm>> -> memref<1x256x128xf32, #tpu.memory_space<hbm>>
    %dma_wait3A_255 = tpu.memref_squeeze %dma_wait3A_254 : memref<1x256x128xf32, #tpu.memory_space<hbm>> -> memref<256x128xf32, #tpu.memory_space<hbm>>
    %dma_wait3A_256 = arith.constant 0 : i32
    %dma_wait3A_257 = tpu.memref_slice %arg9[%dma_wait3A_252, %add3A_201, %dma_wait3A_256] : memref<2x16384x128xf32, #tpu.memory_space<hbm>> -> memref<1x256x128xf32, #tpu.memory_space<hbm>>
    %dma_wait3A_258 = tpu.memref_squeeze %dma_wait3A_257 : memref<1x256x128xf32, #tpu.memory_space<hbm>> -> memref<256x128xf32, #tpu.memory_space<hbm>>
    tpu.wait_dma2 semaphore(%arg23 : memref<!tpu.dma_semaphore, #tpu.memory_space<semaphore_mem>>) src(%arg14 : memref<256x128xf32, #tpu.memory_space<vmem>>) dst(%dma_wait3A_258 : memref<256x128xf32, #tpu.memory_space<hbm>>)
    %dma_wait3A_259 = arith.constant 1 : i32
    %dma_wait3A_260 = arith.constant 0 : i32
    %dma_wait3A_261 = tpu.memref_slice %arg9[%dma_wait3A_259, %add3A_219, %dma_wait3A_260] : memref<2x16384x128xf32, #tpu.memory_space<hbm>> -> memref<1x256x128xf32, #tpu.memory_space<hbm>>
    %dma_wait3A_262 = tpu.memref_squeeze %dma_wait3A_261 : memref<1x256x128xf32, #tpu.memory_space<hbm>> -> memref<256x128xf32, #tpu.memory_space<hbm>>
    %dma_wait3A_263 = arith.constant 0 : i32
    %dma_wait3A_264 = tpu.memref_slice %arg9[%dma_wait3A_259, %add3A_219, %dma_wait3A_263] : memref<2x16384x128xf32, #tpu.memory_space<hbm>> -> memref<1x256x128xf32, #tpu.memory_space<hbm>>
    %dma_wait3A_265 = tpu.memref_squeeze %dma_wait3A_264 : memref<1x256x128xf32, #tpu.memory_space<hbm>> -> memref<256x128xf32, #tpu.memory_space<hbm>>
    tpu.wait_dma2 semaphore(%arg24 : memref<!tpu.dma_semaphore, #tpu.memory_space<semaphore_mem>>) src(%arg15 : memref<256x128xf32, #tpu.memory_space<vmem>>) dst(%dma_wait3A_265 : memref<256x128xf32, #tpu.memory_space<hbm>>)
    return
  }
}

module attributes {stable_mosaic.version = 14 : i64} {
  func.func @_text_body_first(%arg0: i32, %arg1: memref<300x1x4096xf32, #tpu.memory_space<vmem>>, %arg2: memref<300x128xf32, #tpu.memory_space<vmem>>, %arg3: memref<1x128xf32, #tpu.memory_space<vmem>>, %arg4: memref<4096x128xf32, #tpu.memory_space<vmem>>) attributes {dimension_semantics = [#tpu.dimension_semantics<arbitrary>], iteration_bounds = array<i64: 4>, scalar_prefetch = 0 : i64, scratch_operands = 0 : i64, tpu.core_type = #tpu.core_type<tc>, window_params = [{transform_indices = @transform_0, window_bounds = array<i64: 300, 1, 4096>}, {pipeline_mode = #tpu.pipeline_mode<synchronous>, transform_indices = @transform_1, window_bounds = array<i64: 300, 128>}, {pipeline_mode = #tpu.pipeline_mode<synchronous>, transform_indices = @transform_2, window_bounds = array<i64: 1, 128>}, {transform_indices = @transform_3, window_bounds = array<i64: 4096, 128>}]} {
    %get3A = arith.constant 0 : index
    %get3A_0 = arith.constant 0 : index
    %get3A_1 = arith.constant 0 : index
    %get3A_2 = vector.load %arg1[%get3A, %get3A_0, %get3A_1] : memref<300x1x4096xf32, #tpu.memory_space<vmem>>, vector<300x1x4096xf32>
    %get3A_3 = vector.shape_cast %get3A_2 : vector<300x1x4096xf32> to vector<300x4096xf32>
    %get3A_4 = arith.constant 0 : index
    %get3A_5 = arith.constant 0 : index
    %get3A_6 = vector.load %arg2[%get3A_4, %get3A_5] : memref<300x128xf32, #tpu.memory_space<vmem>>, vector<300x128xf32>
    %dot_general3A = arith.constant dense<0.000000e+00> : vector<4096x128xf32>
    %dot_general3A_7 = tpu.matmul %get3A_3, %get3A_6, %dot_general3A {dimension_numbers = #tpu.dot_dimension_numbers<[0], [0], [1], [1], [0, 1, 1, 1], [], []>, transpose_lhs_hint = false} : vector<300x4096xf32>, vector<300x128xf32>, vector<4096x128xf32> -> vector<4096x128xf32>
    %get3A_8 = arith.constant 0 : index
    %get3A_9 = arith.constant 0 : index
    %get3A_10 = vector.load %arg3[%get3A_8, %get3A_9] : memref<1x128xf32, #tpu.memory_space<vmem>>, vector<1x128xf32>
    %get3A_11 = vector.shape_cast %get3A_10 : vector<1x128xf32> to vector<128xf32>
    %broadcast_in_dim3A = vector.shape_cast %get3A_11 : vector<128xf32> to vector<1x128xf32>
    %add3A = vector.broadcast %broadcast_in_dim3A : vector<1x128xf32> to vector<4096x128xf32>
    %add3A_12 = arith.addf %dot_general3A_7, %add3A : vector<4096x128xf32>
    %swap3A = arith.constant 0 : index
    %swap3A_13 = arith.constant 0 : index
    %swap3A_14 = vector.load %arg4[%swap3A, %swap3A_13] : memref<4096x128xf32, #tpu.memory_space<vmem>>, vector<4096x128xf32>
    tpu.vector_store %arg4[%swap3A, %swap3A_13], %add3A_12 {strides = array<i32>} : memref<4096x128xf32, #tpu.memory_space<vmem>>, vector<4096x128xf32>,
    return
  }
  func.func @transform_0(%arg0: i32) -> (i32, i32, i32) {
    %c0_i32 = arith.constant 0 : i32
    %c0_i32_0 = arith.constant 0 : i32
    %c0_i32_1 = arith.constant 0 : i32
    return %c0_i32, %c0_i32_0, %arg0 : i32, i32, i32
  }
  func.func @transform_1(%arg0: i32) -> (i32, i32) {
    %c0_i32 = arith.constant 0 : i32
    %c0_i32_0 = arith.constant 0 : i32
    %c0_i32_1 = arith.constant 0 : i32
    return %c0_i32, %c0_i32_0 : i32, i32
  }
  func.func @transform_2(%arg0: i32) -> (i32, i32) {
    %c0_i32 = arith.constant 0 : i32
    %c0_i32_0 = arith.constant 0 : i32
    %c0_i32_1 = arith.constant 0 : i32
    return %c0_i32, %c0_i32_0 : i32, i32
  }
  func.func @transform_3(%arg0: i32) -> (i32, i32) {
    %add3A = arith.constant 8 : i32
    %add3A_0 = arith.addi %add3A, %arg0 : i32
    %c0_i32 = arith.constant 0 : i32
    %c0_i32_1 = arith.constant 0 : i32
    return %add3A_0, %c0_i32 : i32, i32
  }
}

module attributes {stable_mosaic.version = 14 : i64} {
  func.func @_num_body(%arg0: i32, %arg1: i32, %arg2: memref<98304x128xf32, #tpu.memory_space<any>>, %arg3: memref<1x1x8192xf32, #tpu.memory_space<vmem>>, %arg4: memref<1x1x128xf32, #tpu.memory_space<vmem>>, %arg5: memref<1x1x128xf32, #tpu.memory_space<vmem>>, %arg6: memref<1x1x128xf32, #tpu.memory_space<vmem>>, %arg7: memref<8192x128xf32, #tpu.memory_space<vmem>>) attributes {dimension_semantics = [#tpu.dimension_semantics<arbitrary>, #tpu.dimension_semantics<arbitrary>], iteration_bounds = array<i64: 2, 2>, scalar_prefetch = 0 : i64, scratch_operands = 0 : i64, tpu.core_type = #tpu.core_type<tc>, window_params = [{}, {transform_indices = @transform_1, window_bounds = array<i64: 1, 1, 8192>}, {transform_indices = @transform_2, window_bounds = array<i64: 1, 1, 128>}, {transform_indices = @transform_3, window_bounds = array<i64: 1, 1, 128>}, {transform_indices = @transform_4, window_bounds = array<i64: 1, 1, 128>}, {transform_indices = @transform_5, window_bounds = array<i64: 8192, 128>}]} {
    %get3A = arith.constant 0 : index
    %get3A_0 = arith.constant 0 : index
    %get3A_1 = arith.constant 0 : index
    %get3A_2 = vector.load %arg3[%get3A, %get3A_0, %get3A_1] : memref<1x1x8192xf32, #tpu.memory_space<vmem>>, vector<1x1x8192xf32>
    %get3A_3 = vector.shape_cast %get3A_2 : vector<1x1x8192xf32> to vector<8192xf32>
    %broadcast_in_dim3A = vector.shape_cast %get3A_3 : vector<8192xf32> to vector<8192x1xf32>
    %get3A_4 = arith.constant 0 : index
    %get3A_5 = arith.constant 0 : index
    %get3A_6 = arith.constant 0 : index
    %get3A_7 = vector.load %arg4[%get3A_4, %get3A_5, %get3A_6] : memref<1x1x128xf32, #tpu.memory_space<vmem>>, vector<1x1x128xf32>
    %get3A_8 = vector.shape_cast %get3A_7 : vector<1x1x128xf32> to vector<128xf32>
    %broadcast_in_dim3A_9 = vector.shape_cast %get3A_8 : vector<128xf32> to vector<1x128xf32>
    %mul3A = vector.broadcast %broadcast_in_dim3A : vector<8192x1xf32> to vector<8192x128xf32>
    %mul3A_10 = vector.broadcast %broadcast_in_dim3A_9 : vector<1x128xf32> to vector<8192x128xf32>
    %mul3A_11 = arith.mulf %mul3A, %mul3A_10 : vector<8192x128xf32>
    %get3A_12 = arith.constant 0 : index
    %get3A_13 = arith.constant 0 : index
    %get3A_14 = arith.constant 0 : index
    %get3A_15 = vector.load %arg5[%get3A_12, %get3A_13, %get3A_14] : memref<1x1x128xf32, #tpu.memory_space<vmem>>, vector<1x1x128xf32>
    %get3A_16 = vector.shape_cast %get3A_15 : vector<1x1x128xf32> to vector<128xf32>
    %broadcast_in_dim3A_17 = vector.shape_cast %get3A_16 : vector<128xf32> to vector<1x128xf32>
    %add3A = vector.broadcast %broadcast_in_dim3A_17 : vector<1x128xf32> to vector<8192x128xf32>
    %add3A_18 = arith.addf %mul3A_11, %add3A : vector<8192x128xf32>
    %neg3A = arith.constant 0.000000e+00 : f32
    %neg3A_19 = vector.broadcast %neg3A : f32 to vector<8192x128xf32>
    %neg3A_20 = arith.subf %neg3A_19, %add3A_18 : vector<8192x128xf32>
    %exp3A = math.exp %neg3A_20 : vector<8192x128xf32>
    %add3A_21 = arith.constant 1.000000e+00 : f32
    %add3A_22 = vector.broadcast %add3A_21 : f32 to vector<8192x128xf32>
    %add3A_23 = arith.addf %add3A_22, %exp3A : vector<8192x128xf32>
    %div3A = arith.constant 1.000000e+00 : f32
    %div3A_24 = vector.broadcast %div3A : f32 to vector<8192x128xf32>
    %div3A_25 = arith.divf %div3A_24, %add3A_23 : vector<8192x128xf32>
    %mul3A_26 = arith.mulf %add3A_18, %div3A_25 : vector<8192x128xf32>
    %get3A_27 = arith.constant 0 : index
    %get3A_28 = arith.constant 0 : index
    %get3A_29 = arith.constant 0 : index
    %get3A_30 = vector.load %arg6[%get3A_27, %get3A_28, %get3A_29] : memref<1x1x128xf32, #tpu.memory_space<vmem>>, vector<1x1x128xf32>
    %get3A_31 = vector.shape_cast %get3A_30 : vector<1x1x128xf32> to vector<128xf32>
    %broadcast_in_dim3A_32 = vector.shape_cast %get3A_31 : vector<128xf32> to vector<1x128xf32>
    %add3A_33 = vector.broadcast %broadcast_in_dim3A_32 : vector<1x128xf32> to vector<8192x128xf32>
    %add3A_34 = arith.addf %mul3A_26, %add3A_33 : vector<8192x128xf32>
    %swap3A = arith.constant 0 : index
    %swap3A_35 = arith.constant 0 : index
    %swap3A_36 = vector.load %arg7[%swap3A, %swap3A_35] : memref<8192x128xf32, #tpu.memory_space<vmem>>, vector<8192x128xf32>
    tpu.vector_store %arg7[%swap3A, %swap3A_35], %add3A_34 {strides = array<i32>} : memref<8192x128xf32, #tpu.memory_space<vmem>>, vector<8192x128xf32>,
    return
  }
  func.func @transform_1(%arg0: i32, %arg1: i32) -> (i32, i32, i32) {
    %c0_i32 = arith.constant 0 : i32
    %c0_i32_0 = arith.constant 0 : i32
    return %arg0, %c0_i32, %arg1 : i32, i32, i32
  }
  func.func @transform_2(%arg0: i32, %arg1: i32) -> (i32, i32, i32) {
    %c0_i32 = arith.constant 0 : i32
    %c0_i32_0 = arith.constant 0 : i32
    %c0_i32_1 = arith.constant 0 : i32
    return %arg0, %c0_i32, %c0_i32_0 : i32, i32, i32
  }
  func.func @transform_3(%arg0: i32, %arg1: i32) -> (i32, i32, i32) {
    %c0_i32 = arith.constant 0 : i32
    %c0_i32_0 = arith.constant 0 : i32
    %c0_i32_1 = arith.constant 0 : i32
    return %arg0, %c0_i32, %c0_i32_0 : i32, i32, i32
  }
  func.func @transform_4(%arg0: i32, %arg1: i32) -> (i32, i32, i32) {
    %c0_i32 = arith.constant 0 : i32
    %c0_i32_0 = arith.constant 0 : i32
    %c0_i32_1 = arith.constant 0 : i32
    return %arg0, %c0_i32, %c0_i32_0 : i32, i32, i32
  }
  func.func @transform_5(%arg0: i32, %arg1: i32) -> (i32, i32) {
    %mul3A = arith.constant 3 : i32
    %mul3A_0 = arith.muli %arg0, %mul3A : i32
    %mul3A_1 = arith.constant 2 : i32
    %mul3A_2 = arith.muli %mul3A_0, %mul3A_1 : i32
    %add3A = arith.addi %mul3A_2, %arg1 : i32
    %c0_i32 = arith.constant 0 : i32
    %c0_i32_3 = arith.constant 0 : i32
    return %add3A, %c0_i32 : i32, i32
  }
}

module attributes {stable_mosaic.version = 14 : i64} {
  func.func @_text_body(%arg0: i32, %arg1: memref<98304x128xf32, #tpu.memory_space<any>>, %arg2: memref<300x1x4096xf32, #tpu.memory_space<vmem>>, %arg3: memref<300x128xf32, #tpu.memory_space<vmem>>, %arg4: memref<1x128xf32, #tpu.memory_space<vmem>>, %arg5: memref<4096x128xf32, #tpu.memory_space<vmem>>) attributes {dimension_semantics = [#tpu.dimension_semantics<arbitrary>], iteration_bounds = array<i64: 4>, scalar_prefetch = 0 : i64, scratch_operands = 0 : i64, tpu.core_type = #tpu.core_type<tc>, window_params = [{}, {transform_indices = @transform_1, window_bounds = array<i64: 300, 1, 4096>}, {pipeline_mode = #tpu.pipeline_mode<synchronous>, transform_indices = @transform_2, window_bounds = array<i64: 300, 128>}, {pipeline_mode = #tpu.pipeline_mode<synchronous>, transform_indices = @transform_3, window_bounds = array<i64: 1, 128>}, {transform_indices = @transform_4, window_bounds = array<i64: 4096, 128>}]} {
    %get3A = arith.constant 0 : index
    %get3A_0 = arith.constant 0 : index
    %get3A_1 = arith.constant 0 : index
    %get3A_2 = vector.load %arg2[%get3A, %get3A_0, %get3A_1] : memref<300x1x4096xf32, #tpu.memory_space<vmem>>, vector<300x1x4096xf32>
    %get3A_3 = vector.shape_cast %get3A_2 : vector<300x1x4096xf32> to vector<300x4096xf32>
    %get3A_4 = arith.constant 0 : index
    %get3A_5 = arith.constant 0 : index
    %get3A_6 = vector.load %arg3[%get3A_4, %get3A_5] : memref<300x128xf32, #tpu.memory_space<vmem>>, vector<300x128xf32>
    %dot_general3A = arith.constant dense<0.000000e+00> : vector<4096x128xf32>
    %dot_general3A_7 = tpu.matmul %get3A_3, %get3A_6, %dot_general3A {dimension_numbers = #tpu.dot_dimension_numbers<[0], [0], [1], [1], [0, 1, 1, 1], [], []>, transpose_lhs_hint = false} : vector<300x4096xf32>, vector<300x128xf32>, vector<4096x128xf32> -> vector<4096x128xf32>
    %get3A_8 = arith.constant 0 : index
    %get3A_9 = arith.constant 0 : index
    %get3A_10 = vector.load %arg4[%get3A_8, %get3A_9] : memref<1x128xf32, #tpu.memory_space<vmem>>, vector<1x128xf32>
    %get3A_11 = vector.shape_cast %get3A_10 : vector<1x128xf32> to vector<128xf32>
    %broadcast_in_dim3A = vector.shape_cast %get3A_11 : vector<128xf32> to vector<1x128xf32>
    %add3A = vector.broadcast %broadcast_in_dim3A : vector<1x128xf32> to vector<4096x128xf32>
    %add3A_12 = arith.addf %dot_general3A_7, %add3A : vector<4096x128xf32>
    %swap3A = arith.constant 0 : index
    %swap3A_13 = arith.constant 0 : index
    %swap3A_14 = vector.load %arg5[%swap3A, %swap3A_13] : memref<4096x128xf32, #tpu.memory_space<vmem>>, vector<4096x128xf32>
    tpu.vector_store %arg5[%swap3A, %swap3A_13], %add3A_12 {strides = array<i32>} : memref<4096x128xf32, #tpu.memory_space<vmem>>, vector<4096x128xf32>,
    return
  }
  func.func @transform_1(%arg0: i32) -> (i32, i32, i32) {
    %c0_i32 = arith.constant 0 : i32
    %c0_i32_0 = arith.constant 0 : i32
    %c0_i32_1 = arith.constant 0 : i32
    return %c0_i32, %c0_i32_0, %arg0 : i32, i32, i32
  }
  func.func @transform_2(%arg0: i32) -> (i32, i32) {
    %c0_i32 = arith.constant 0 : i32
    %c0_i32_0 = arith.constant 0 : i32
    %c0_i32_1 = arith.constant 0 : i32
    return %c0_i32, %c0_i32_0 : i32, i32
  }
  func.func @transform_3(%arg0: i32) -> (i32, i32) {
    %c0_i32 = arith.constant 0 : i32
    %c0_i32_0 = arith.constant 0 : i32
    %c0_i32_1 = arith.constant 0 : i32
    return %c0_i32, %c0_i32_0 : i32, i32
  }
  func.func @transform_4(%arg0: i32) -> (i32, i32) {
    %add3A = arith.constant 20 : i32
    %add3A_0 = arith.addi %add3A, %arg0 : i32
    %c0_i32 = arith.constant 0 : i32
    %c0_i32_1 = arith.constant 0 : i32
    return %add3A_0, %c0_i32 : i32, i32
  }
}

module attributes {stable_mosaic.version = 14 : i64} {
  func.func @_inject_body(%arg0: i32, %arg1: i32, %arg2: memref<98304x128xf32, #tpu.memory_space<any>>, %arg3: memref<1x8192x128xf32, #tpu.memory_space<vmem>>, %arg4: memref<8192x128xf32, #tpu.memory_space<vmem>>) attributes {dimension_semantics = [#tpu.dimension_semantics<arbitrary>, #tpu.dimension_semantics<arbitrary>], iteration_bounds = array<i64: 2, 2>, scalar_prefetch = 0 : i64, scratch_operands = 0 : i64, tpu.core_type = #tpu.core_type<tc>, window_params = [{}, {transform_indices = @transform_1, window_bounds = array<i64: 1, 8192, 128>}, {transform_indices = @transform_2, window_bounds = array<i64: 8192, 128>}]} {
    %get3A = arith.constant 0 : index
    %get3A_0 = arith.constant 0 : index
    %get3A_1 = arith.constant 0 : index
    %get3A_2 = vector.load %arg3[%get3A, %get3A_0, %get3A_1] : memref<1x8192x128xf32, #tpu.memory_space<vmem>>, vector<1x8192x128xf32>
    %get3A_3 = vector.shape_cast %get3A_2 : vector<1x8192x128xf32> to vector<8192x128xf32>
    %swap3A = arith.constant 0 : index
    %swap3A_4 = arith.constant 0 : index
    %swap3A_5 = vector.load %arg4[%swap3A, %swap3A_4] : memref<8192x128xf32, #tpu.memory_space<vmem>>, vector<8192x128xf32>
    tpu.vector_store %arg4[%swap3A, %swap3A_4], %get3A_3 {strides = array<i32>} : memref<8192x128xf32, #tpu.memory_space<vmem>>, vector<8192x128xf32>,
    return
  }
  func.func @transform_1(%arg0: i32, %arg1: i32) -> (i32, i32, i32) {
    %c0_i32 = arith.constant 0 : i32
    %c0_i32_0 = arith.constant 0 : i32
    return %arg0, %arg1, %c0_i32 : i32, i32, i32
  }
  func.func @transform_2(%arg0: i32, %arg1: i32) -> (i32, i32) {
    %mul3A = arith.constant 3 : i32
    %mul3A_0 = arith.muli %mul3A, %arg0 : i32
    %add3A = arith.constant 1 : i32
    %add3A_1 = arith.addi %add3A, %mul3A_0 : i32
    %mul3A_2 = arith.constant 2 : i32
    %mul3A_3 = arith.muli %add3A_1, %mul3A_2 : i32
    %add3A_4 = arith.addi %mul3A_3, %arg1 : i32
    %c0_i32 = arith.constant 0 : i32
    %c0_i32_5 = arith.constant 0 : i32
    return %add3A_4, %c0_i32 : i32, i32
  }
}

</mosaic_0001>

<sc_bundles>
// kernel: kernel.7.cloned.1.call-start
scs
__scs_entry_jumppad:
0x0: {  	(pc) =	sbr.rel $0x88, $3  }
0x1: {  	(tag) =	ssettag $0x0;
	lr =	simm.s32 $0x1  }
0x2: {  	[smem:$0x3F8A] =	sst lr;
	_ =	strace $0xD0000000  }
0x3: {  	_ = 	snop  }
0x4: {  	_ = 	snop  }
0x5: {  	_ = 	snop  }
0x6: {  	_ = 	snop  }
0x7: {  	_ = 	snop  }
__scs_overlays_trampoline_lowered:
0x8: {  	[smem:$0x3F99] =	sst s0  }
0x9: {  	[smem:$0x3F9A] =	sst s1  }
0xa: {  	[smem:$0x3F9B] =	sst s2  }
0xb: {  	[smem:$0x3F9C] =	sst s3  }
0xc: {  	[smem:$0x3F9D] =	sst s4  }
0xd: {  	[smem:$0x3F9E] =	sst s5  }
0xe: {  	[smem:$0x3F9F] =	sst s6  }
0xf: {  	[smem:$0x3FA0] =	sst s7  }
0x10: {  	[smem:$0x3FA1] =	sst s8  }
0x11: {  	[smem:$0x3FA2] =	sst s9;
	s0 =	simm.s32 @!p0 $0x0  }
0x12: {  	s1 =	sld [smem:$0x3F88];
	s0 =	simm.s32 @p0 $0x1  }
0x13: {  	[smem:$0x3FA3] =	sst s0;
	s0 =	simm.s32 @!p1 $0x0  }
0x14: {  	s2 =	sld [smem:$0x3F87];
	s0 =	simm.s32 @p1 $0x1  }
0x15: {  	[smem:$0x3FA4] =	sst s0;
	s0 =	simm.s32 @!p2 $0x0  }
0x16: {  	s3 =	sld [smem:$0x3FDB];
	s0 =	simm.s32 @p2 $0x1  }
0x17: {  	s4 =	simm.s32 $0x1BF5;
	[smem:$0x3FA6] =	sst s0  }
0x18: {  	s0 =	sld [smem:$0x3F89];
	_ =	swait.ge [sflag:s4], $0x0  }
0x19: {  	s7 =	sld [smem:$0x3F8A]  }
0x1a: {  	s8 =	sadd.s32 $0xFFFFE003, lr  }
0x1b: {  	s9 =	sadd.s32 $0xFFFFFEF7, lr;
	s5 =	simm.s32 $0xFFFFFFFF;
	p2 =	slt.u32 s8, $0xFFFFF086  }
0x1c: {  	p1 =	slt.u32 s9, $0xF7A;
	s5 =	simm.s32 @!p2 $0x0  }
0x1d: {  	s5 =	simm.s32 @p1 $0x1;
	p0 =	seq.s32 s7, s2  }
0x1e: {  	s7 =	smul.u32 @!p0 $0xF7A, s2;
	p2 =	seq.s32 @!p0 s5, $0x0  }
0x1f: {  	s9 =	smul.u32 $0xF7A, s1;
	s8 =	simm.s32 @!p0 $0x1BF5;
	p2 =	por !p2, p0  }
0x20: {  	[sflag:s8] =	ssyncset.s32 @!p0 $0xFFFFF086;
	s6 =	sadd.s32 @!p0 s3, s7;
	s7 =	simm.s32 @!p0 $0x108  }
0x21: {  	s3 =	sadd.s32 s3, s9;
	s6 =	sadd.s32 @!p0 $0x88, s6;
	s7 =	simm.s32 @p2 $0x1082  }
0x22: {  	[simem:s7], [sflag:s8] =	dma.local @!p0 [hbm:s6], $0xF7A  }
0x23: {  	s9 =	sor.u32 $0xD0000000, s2;
	s6 =	simm.s32 $0x108;
	_ =	swait.ge @!p0 [sflag:s8], $0x0  }
0x24: {  	s3 =	sadd.s32 $0x88, s3;
	s6 =	simm.s32 @!p1 $0x1082;
	[sflag:s4] =	ssyncset.s32 $0xFFFFF086  }
0x25: {  	[simem:s6], [sflag:s4] =	dma.local [hbm:s3], $0xF7A  }
0x26: {  	[smem:$0x3F8A] =	sst s1;
	(tag) =	ssettag s2;
	_ =	strace s9  }
0x27: {  	s1 =	sld [smem:$0x3F9A]  }
0x28: {  	s2 =	sld [smem:$0x3F9B]  }
0x29: {  	s4 =	sld [smem:$0x3F9D]  }
0x2a: {  	p0 =	seq.s32 s5, $0x0;
	s5 =	sld [smem:$0x3F9E]  }
0x2b: {  	s6 =	sld [smem:$0x3F9F]  }
0x2c: {  	s7 =	sld [smem:$0x3FA0]  }
0x2d: {  	s3 =	simm.s32 $0x108;
	s8 =	sld [smem:$0x3FA1]  }
0x2e: {  	s3 =	simm.s32 @!p0 $0x1082;
	s9 =	sld [smem:$0x3FA2]  }
0x2f: {  	lr =	sadd.s32 s0, s3;
	s0 =	sld [smem:$0x3F99]  }
0x30: {  	s3 =	sld [smem:$0x3F9C]  }
0x31: {  	[smem:$0x3FA5] =	sst s10  }
0x32: {  	s10 =	sld [smem:$0x3FA3];
	_ =	sdelay $0x3  }
0x33: {  	p0 =	seq.s32 s10, $0x1;
	s10 =	sld [smem:$0x3FA5];
	_ =	sdelay $0x3  }
0x34: {  	[smem:$0x3FA5] =	sst s10  }
0x35: {  	s10 =	sld [smem:$0x3FA4];
	_ =	sdelay $0x3  }
0x36: {  	p1 =	seq.s32 s10, $0x1;
	s10 =	sld [smem:$0x3FA5];
	_ =	sdelay $0x3  }
0x37: {  	[smem:$0x3FA5] =	sst s10  }
0x38: {  	s10 =	sld [smem:$0x3FA6]  }
0x39: {  	_ = 	snop;
	(pc) =	sbr.ind lr, $3  }
0x3a: {  	_ = 	snop  }
0x3b: {  	_ = 	snop  }
0x3c: {  	p2 =	seq.s32 s10, $0x1;
	s10 =	sld [smem:$0x3FA5]  }
0x3d: {  	_ =	shalt  }
0x3e: {  	_ =	shalt  }
0x3f: {  	_ =	shalt  }
0x40: {  	_ =	shalt  }
0x41: {  	_ =	shalt  }
0x42: {  	_ =	shalt  }
0x43: {  	_ =	shalt  }
0x44: {  	_ =	shalt  }
0x45: {  	_ =	shalt  }
0x46: {  	_ =	shalt  }
0x47: {  	_ =	shalt  }
0x48: {  	_ =	shalt  }
0x49: {  	_ =	shalt  }
0x4a: {  	_ =	shalt  }
0x4b: {  	_ =	shalt  }
0x4c: {  	_ =	shalt  }
0x4d: {  	_ =	shalt  }
0x4e: {  	_ =	shalt  }
0x4f: {  	_ =	shalt  }
0x50: {  	_ =	shalt  }
0x51: {  	_ =	shalt  }
0x52: {  	_ =	shalt  }
0x53: {  	_ =	shalt  }
0x54: {  	_ =	shalt  }
0x55: {  	_ =	shalt  }
0x56: {  	_ =	shalt  }
0x57: {  	_ =	shalt  }
0x58: {  	_ =	shalt  }
0x59: {  	_ =	shalt  }
0x5a: {  	_ =	shalt  }
0x5b: {  	_ =	shalt  }
0x5c: {  	_ =	shalt  }
0x5d: {  	_ =	shalt  }
0x5e: {  	_ =	shalt  }
0x5f: {  	_ =	shalt  }
0x60: {  	_ =	shalt  }
0x61: {  	_ =	shalt  }
0x62: {  	_ =	shalt  }
0x63: {  	_ =	shalt  }
0x64: {  	_ =	shalt  }
0x65: {  	_ =	shalt  }
0x66: {  	_ =	shalt  }
0x67: {  	_ =	shalt  }
0x68: {  	_ =	shalt  }
0x69: {  	_ =	shalt  }
0x6a: {  	_ =	shalt  }
0x6b: {  	_ =	shalt  }
0x6c: {  	_ =	shalt  }
0x6d: {  	_ =	shalt  }
0x6e: {  	_ =	shalt  }
0x6f: {  	_ =	shalt  }
0x70: {  	_ =	shalt  }
0x71: {  	_ =	shalt  }
0x72: {  	_ =	shalt  }
0x73: {  	_ =	shalt  }
0x74: {  	_ =	shalt  }
0x75: {  	_ =	shalt  }
0x76: {  	_ =	shalt  }
0x77: {  	_ =	shalt  }
0x78: {  	_ =	shalt  }
0x79: {  	_ =	shalt  }
0x7a: {  	_ =	shalt  }
0x7b: {  	_ =	shalt  }
0x7c: {  	_ =	shalt  }
0x7d: {  	_ =	shalt  }
0x7e: {  	_ =	shalt  }
0x7f: {  	_ =	shalt  }
0x80: {  	_ =	shalt  }
0x81: {  	_ =	shalt  }
0x82: {  	_ =	shalt  }
0x83: {  	_ =	shalt  }
0x84: {  	_ =	shalt  }
0x85: {  	_ =	shalt  }
0x86: {  	_ =	shalt  }
0x87: {  	_ =	shalt  }
.Lfunc_end0:
.L_simem_size_0:
called_computation_lowered:
.L_overlay_start_0:
0x88: {  	s2 =	sld [smem:$0x3FD9]  }
0x89: {  	s3 =	sld [smem:$0x3FFE];
	_ =	sdelay $0x1  }
0x8a: {  	s1 =	srdreg.scid  }
0x8b: {  	s0 =	sand.u32 $0x1, s1  }
0x8c: {  	s17 =	sshll.u32 s0, $0xA;
	s2 =	sadd.s32 s3, s2  }
0x8d: {  	s2 =	sadd.s32 s2, s17  }
0x8e: {  	[smem:$0x3FB1] =	sst s2  }
0x8f: {  	_ = 	snop  }
0x90: {  	s2 =	sld [smem:$0x3FC8]  }
0x91: {  	s18 =	sld [smem:$0x3FC5]  }
0x92: {  	s4 =	sld [smem:$0x3FC3]  }
0x93: {  	s5 =	sld [smem:$0x3FBF]  }
0x94: {  	s6 =	sld [smem:$0x3FBE]  }
0x95: {  	s7 =	sld [smem:$0x3FB7]  }
0x96: {  	s8 =	sld [smem:$0x3FB6];
	(tm) =	ssettm $0x1  }
0x97: {  	s9 =	sld [smem:$0x3FFB];
	_ =	sdelay $0x3  }
0x98: {  	_ =	strace s9  }
0x99: {  	s9 =	sld [smem:$0x3FFC];
	_ =	sdelay $0x3  }
0x9a: {  	_ =	strace s9  }
0x9b: {  	s9 =	sld [smem:$0x3FFD];
	_ =	sdelay $0x3  }
0x9c: {  	_ =	strace s9  }
0x9d: {  	_ =	strace $0x8FFFFFFF  }
0x9e: {  	s19 =	sld [smem:$0x3FDB];
	_ =	sdelay $0x1  }
0x9f: {  	s10 =	simm.s32 $_scs_section_size  }
0xa0: {  	s11 =	simm.s32 $_size__tile_overlayer_lowered;
	s12 =	simm.s32 $_tile_overlayer_lowered  }
0xa1: {  	s22 =	simm.s32 $0x1BFF;
	s21 =	sshll.u32 s12, $0x1;
	s9 =	sadd.s32 s10, s19  }
0xa2: {  	s13 =	simm.s32 $0x0;
	s20 =	sshll.u32 s11, $0x1;
	s11 =	sadd.s32 s21, s9  }
0xa3: {  	[timem:s13], [sflag:s22] =	dma.local [hbm:s11], s20  }
0xa4: {  	_ =	swait.ge [sflag:s22], s20  }
0xa5: {  	s10 =	ssub.s32 $0x0, s20;
	[sflag:s22] =	ssyncset.done $0x0  }
0xa6: {  	[sflag:s22] =	ssyncadd.s32 s10;
	_ =	sdelay $0x1  }
0xa7: {  	s23 =	simm.s32 $0x1B8B  }
0xa8: {  	_ =	swait.ge [sflag:s23], $0x1  }
0xa9: {  	[sflag:s23] =	ssyncset.done $0x0  }
0xaa: {  	s25 =	simm.s32 $0x1B8E;
	s24 =	sld [smem:$0x3FFE];
	[sflag:s23] =	ssyncadd.s32 $0xFFFFFFFF  }
0xab: {  	s26 =	simm.s32 $execute0_lowered;
	[smem:$0x3FD2] =	sst s25  }
0xac: {  	s11 =	sshll.u32 s26, $0x1;
	_ =	strace $0x80000046;
	[dreg:$0x1] =	wrdreg $0xFFFFFFFF  }
0xad: {  	s28 =	simm.s32 $_size_execute0_lowered;
	s9 =	sadd.s32 s9, s11;
	[dreg:$0x0] =	wrdreg $0x0  }
0xae: {  	s11 =	sshll.u32 s28, $0x1;
	[dreg:$0x2] =	wrdreg s9  }
0xaf: {  	[dreg:$0x3] =	wrdreg s11  }
0xb0: {  	[dreg:$0x4] =	wrdreg $0xC0  }
0xb1: {  	_ =	task [dreg:s13], $0x5FFFF  }
0xb2: {  	[dreg:$0x1] =	wrdreg $0xFFFFFFFF  }
0xb3: {  	[dreg:$0x0] =	wrdreg $0x60  }
0xb4: {  	[dreg:$0x2] =	wrdreg s2  }
0xb5: {  	[dreg:$0x3] =	wrdreg s18  }
0xb6: {  	[dreg:$0x4] =	wrdreg s5  }
0xb7: {  	[dreg:$0x5] =	wrdreg s7  }
0xb8: {  	[dreg:$0x6] =	wrdreg s6  }
0xb9: {  	[dreg:$0x7] =	wrdreg s8  }
0xba: {  	[dreg:$0x8] =	wrdreg s4  }
0xbb: {  	[dreg:$0x9] =	wrdreg s24  }
0xbc: {  	[dreg:$0xa] =	wrdreg $0x9  }
0xbd: {  	_ =	task.clear_ibuf [dreg:s13], $0xBFFFF;
	_ =	strace $0x90000046  }
0xbe: {  	s29 =	simm.s32 $0x9;
	_ =	strace $0x80000048  }
0xbf: {  	_ =	swait.ge [sflag:s29], $0x1  }
0xc0: {  	[sflag:s29] =	ssyncadd.s32 $0xFFFFFFFF  }
0xc1: {  	_ =	strace $0x90000048  }
0xc2: {  	_ =	sfence  }
0xc3: {  	s30 =	sld [smem:$0x0];
	_ =	sdelay $0x2  }
0xc4: {  	s31 =	sshll.u32 s1, $0xD;
	s1 =	sshrl.u32 s1, $0x2  }
0xc5: {  	s3 =	sand.u32 $0x4000, s31;
	s1 =	sadd.s32 s1, s30  }
0xc6: {  	s0 =	sor.u32 s3, s0;
	s1 =	sshll.u32 s1, $0x11  }
0xc7: {  	s0 =	sor.u32 s1, s0  }
0xc8: {  	s0 =	sadd.s32 $0x8F2B, s0  }
0xc9: {  	[sflag:s0] =	ssyncadd.remote.s32 $0x1  }
0xca: {  	_ =	sfence.sel $0xFFFF  }
0xcb: {  	[dreg:$0x0] =	wrdreg $0xFFFFFFFF;
	(pc) =	sbr.abs _section_cstart, $3  }
0xcc: {  	[dreg:$0x1] =	wrdreg $0xFFFFFFFF  }
0xcd: {  	_ =	task.clear_ibuf [dreg:s13], $0x2FFFF;
	_ =	strace $0x9FFFFFFF  }
0xce: {  	(tm) =	ssettm $0x7FFFFFFF  }
0xcf: {  	_ =	shalt  }
tec
execute0_lowered:
.L_overlay_start_1:
0x0: {  	(tag) =	ssettag $0x1  }
0x1: {  	s0 =	rddreg [dreg:$0x0]  }
0x2: {  	s3 =	rddreg [dreg:$0x1]  }
0x3: {  	s1 =	rddreg [dreg:$0x2]  }
0x4: {  	s2 =	rddreg [dreg:$0x3]  }
0x5: {  	s5 =	rddreg [dreg:$0x6]  }
0x6: {  	s4 =	rddreg [dreg:$0x7];
	s7 =	simm.s32 $0x0;
	s6 =	srdreg.scid  }
0x7: {  	s8 =	stileid.u32;
	s17 =	simm.s32 $0x18300;
	s18 =	simm.s32 $0x7  }
0x8: {  	s19 =	simm.s32 $0x18380;
	s20 =	simm.s32 $0x18400;
	s21 =	simm.s32 $0x100  }
0x9: {  	s22 =	simm.s32 $0x8300;
	s23 =	simm.s32 $0x200;
	s24 =	simm.s32 $0x10300  }
0xa: {  	s28 =	simm.s32 $0x4;
	s29 =	simm.s32 $0x2;
	s30 =	simm.s32 $0x3  }
0xb: {  	s31 =	simm.s32 $0x5;
	[smem:$0x7FF] =	sst s7;
	s6 =	sand.u32 $0x1, s6  }
0xc: {  	s8 =	sshll.u32 s8, $0xA;
	s13 =	sadd.s32 $0x2C00, s4;
	s9 =	sshll.u32 s6, $0x9  }
0xd: {  	s4 =	sadd.s32 $0x42C00, s4;
	s6 =	ssub.s32 $0x2, s6;
	s11 =	sor.u32 s9, s8  }
0xe: {  	_ =	strace $0x80000047;
	s25 =	sshrl.u32 s6, $0x1;
	s10 =	sshrl.u32 s11, $0x3  }
0xf: {  	s12 =	sor.u32 $0x100, s11;
	s6 =	ssub.s32 s6, s25;
	s26 =	sshll.u32 s11, $0x4  }
0x10: {  	s25 =	simm.s32 $0x1;
	s8 =	sadd.s32 s0, s10;
	s14 =	sshrl.u32 s12, $0x3  }
0x11: {  	s10 =	sadd.s32 s3, s10;
	s11 =	sadd.s32 s13, s26;
	s15 =	sshll.u32 s12, $0x4  }
0x12: {  	s16 =	smax.u32 s6, $0x1;
	s6 =	simm.s32 $0x0;
	s9 =	sadd.s32 s0, s14  }
0x13: {  	s12 =	sadd.s32 s3, s14;
	s13 =	sadd.s32 s13, s15;
	s14 =	sadd.s32 s26, s4  }
0x14: {  	s15 =	sadd.s32 s15, s4;
	s26 =	simm.s32 $0x300;
	s0 =	simm.s32 $0x6  }
.LBB2_1:
0x15: {  	s3 =	rddreg [dreg:$0x4]  }
0x16: {  	[tilespmem:s17], [sflag:$0x7] =	stream.linear.gather [hbm4b:s3+s7], $0x80, $0x38;
	[tilespmem:$0x18500] =	vst v63  }
0x17: {  	_ =	swait.ge [sflag:s18], $0x80  }
0x18: {  	[sflag:s18] =	ssyncset.done $0x0  }
0x19: {  	[sflag:s18] =	ssyncadd.s32 $0xFFFFFF80  }
0x1a: {  	s4 =	rddreg [dreg:$0x5]  }
0x1b: {  	[tilespmem:s19], [sflag:$0x7] =	stream.linear.gather [hbm4b:s4+s7], $0x80, $0x38;
	[tilespmem:$0x18500] =	vst v63  }
0x1c: {  	_ =	swait.ge [sflag:s18], $0x80  }
0x1d: {  	[sflag:s18] =	ssyncset.done $0x0  }
0x1e: {  	[sflag:s18] =	ssyncadd.s32 $0xFFFFFF80  }
0x1f: {  	[tilespmem:s20], [sflag:$0x7] =	stream.linear.gather [hbm4b:s5+s7], $0x100, $0x38;
	[tilespmem:$0x18500] =	vst v63  }
0x20: {  	_ =	swait.ge [sflag:s18], $0x100  }
0x21: {  	[sflag:s18] =	ssyncset.done $0x0  }
0x22: {  	[sflag:s18] =	ssyncadd.s32 $0xFFFFFF00  }
0x23: {  	v16 =	vld [tilespmem:$0x18300]  }
0x24: {  	v17 =	vld [tilespmem:$0x18400]  }
0x25: {  	v23 =	vld [tilespmem:$0x18310]  }
0x26: {  	v24 =	vld [tilespmem:$0x18410]  }
0x27: {  	v22 =	vld [tilespmem:$0x18320]  }
0x28: {  	v25 =	vld [tilespmem:$0x18420]  }
0x29: {  	v21 =	vld [tilespmem:$0x18330]  }
0x2a: {  	v26 =	vld [tilespmem:$0x18430]  }
0x2b: {  	v20 =	vld [tilespmem:$0x18340]  }
0x2c: {  	v27 =	vld [tilespmem:$0x18440]  }
0x2d: {  	v19 =	vld [tilespmem:$0x18350]  }
0x2e: {  	v28 =	vld [tilespmem:$0x18450]  }
0x2f: {  	v18 =	vld [tilespmem:$0x18360]  }
0x30: {  	v29 =	vld [tilespmem:$0x18460]  }
0x31: {  	v30 =	vld [tilespmem:$0x18370]  }
0x32: {  	v31 =	vld [tilespmem:$0x18470]  }
0x33: {  	v7 =	vld [tilespmem:$0x18380]  }
0x34: {  	v9 =	vld [tilespmem:$0x18480]  }
0x35: {  	v0 =	vld [tilespmem:$0x18390]  }
0x36: {  	v1 =	vld [tilespmem:$0x18490]  }
0x37: {  	v2 =	vld [tilespmem:$0x183A0]  }
0x38: {  	v3 =	vld [tilespmem:$0x184A0]  }
0x39: {  	v4 =	vld [tilespmem:$0x183B0]  }
0x3a: {  	v5 =	vld [tilespmem:$0x184B0]  }
0x3b: {  	v6 =	vld [tilespmem:$0x183C0]  }
0x3c: {  	v8 =	vld [tilespmem:$0x184C0]  }
0x3d: {  	v10 =	vld [tilespmem:$0x183D0]  }
0x3e: {  	v11 =	vld [tilespmem:$0x184D0]  }
0x3f: {  	v12 =	vld [tilespmem:$0x183E0]  }
0x40: {  	v13 =	vld [tilespmem:$0x184E0]  }
0x41: {  	v14 =	vld [tilespmem:$0x183F0]  }
0x42: {  	v15 =	vld [tilespmem:$0x184F0];
	[tilespmem:s7], [sflag:$0x7] =	stream.linear.gather [hbm4b:s8+s7], $0x100, $0x38  }
0x43: {  	_ =	swait.ge [sflag:s18], $0x100  }
0x44: {  	[sflag:s18] =	ssyncset.done $0x0  }
0x45: {  	[sflag:s18] =	ssyncadd.s32 $0xFFFFFF00  }
0x46: {  	[tilespmem:s26], [sflag:$0x1] =	stream.indirect.gather [hbm4b:s1+s21], $0x80, s7, s21, $0xb8;
	[tilespmem:$0x18500] =	vst v63  }
0x47: {  	_ = 	snop  }
0x48: {  	[tilespmem:s21], [sflag:$0x7] =	stream.linear.gather [hbm4b:s9+s7], $0x100, $0x38;
	[tilespmem:$0x18500] =	vst v63  }
0x49: {  	_ =	swait.ge [sflag:s18], $0x100  }
0x4a: {  	[sflag:s18] =	ssyncset.done $0x0  }
0x4b: {  	[sflag:s18] =	ssyncadd.s32 $0xFFFFFF00  }
0x4c: {  	[tilespmem:s22], [sflag:$0x2] =	stream.indirect.gather [hbm4b:s1+s21], $0x80, s21, s21, $0xb8;
	[tilespmem:$0x18500] =	vst v63  }
0x4d: {  	_ = 	snop  }
0x4e: {  	[tilespmem:s23], [sflag:$0x7] =	stream.linear.gather [hbm4b:s10+s7], $0x100, $0x38;
	[tilespmem:$0x18500] =	vst v63  }
0x4f: {  	_ =	swait.ge [sflag:s18], $0x100  }
0x50: {  	[sflag:s18] =	ssyncset.done $0x0  }
0x51: {  	[sflag:s18] =	ssyncadd.s32 $0xFFFFFF00  }
0x52: {  	[tilespmem:s24], [sflag:$0x3] =	stream.indirect.gather [hbm4b:s2+s21], $0x80, s23, s21, $0xb8;
	[tilespmem:$0x18500] =	vst v63  }
0x53: {  	_ =	swait.ge [sflag:s25], $0x8000  }
0x54: {  	v16 =	vadd.f32 v17, v16;
	[sflag:s25] =	ssyncset.done $0x0  }
0x55: {  	v17 =	vadd.f32 v31, v30;
	[sflag:s25] =	ssyncadd.s32 $0xFFFF8000  }
0x56: {  	v18 =	vadd.f32 v29, v18;
	[tilespmem:s26+$0x0] =	vst.add.f32.msk $0xffff, v16  }
0x57: {  	v19 =	vadd.f32 v28, v19;
	[tilespmem:s26+$0xF0] =	vst.add.f32.msk $0xffff, v17  }
0x58: {  	v20 =	vadd.f32 v27, v20;
	[tilespmem:s26+$0xE0] =	vst.add.f32.msk $0xffff, v18  }
0x59: {  	v21 =	vadd.f32 v26, v21;
	[tilespmem:s26+$0xD0] =	vst.add.f32.msk $0xffff, v19  }
0x5a: {  	v22 =	vadd.f32 v25, v22;
	[tilespmem:s26+$0xC0] =	vst.add.f32.msk $0xffff, v20  }
0x5b: {  	v23 =	vadd.f32 v24, v23;
	[tilespmem:s26+$0xB0] =	vst.add.f32.msk $0xffff, v21  }
0x5c: {  	[tilespmem:s26+$0xA0] =	vst.add.f32.msk $0xffff, v22  }
0x5d: {  	[tilespmem:s26+$0x90] =	vst.add.f32.msk $0xffff, v23  }
0x5e: {  	[tilespmem:s26+$0x80] =	vst.add.f32.msk $0xffff, v16  }
0x5f: {  	[tilespmem:s26+$0x70] =	vst.add.f32.msk $0xffff, v17  }
0x60: {  	[tilespmem:s26+$0x60] =	vst.add.f32.msk $0xffff, v18  }
0x61: {  	[tilespmem:s26+$0x50] =	vst.add.f32.msk $0xffff, v19  }
0x62: {  	[tilespmem:s26+$0x40] =	vst.add.f32.msk $0xffff, v20  }
0x63: {  	[tilespmem:s26+$0x30] =	vst.add.f32.msk $0xffff, v21  }
0x64: {  	s3 =	simm.s32 $0x0;
	s4 =	simm.s32 $0x300;
	[tilespmem:s26+$0x20] =	vst.add.f32.msk $0xffff, v22  }
.LBB2_2:
0x65: {  	s3 =	sadd.s32 $0x2, s3;
	[tilespmem:s4+$0x10] =	vst.add.f32.msk $0xffff, v23;
	s4 =	sadd.s32 $0x100, s4  }
0x66: {  	[tilespmem:s4+$0x0] =	vst.add.f32.msk $0xffff, v16;
	p0 =	slt.u32 s3, $0xFE  }
0x67: {  	[tilespmem:s4+$0xF0] =	vst.add.f32.msk $0xffff, v17  }
0x68: {  	[tilespmem:s4+$0xE0] =	vst.add.f32.msk $0xffff, v18  }
0x69: {  	[tilespmem:s4+$0xD0] =	vst.add.f32.msk $0xffff, v19  }
0x6a: {  	[tilespmem:s4+$0xC0] =	vst.add.f32.msk $0xffff, v20  }
0x6b: {  	[tilespmem:s4+$0xB0] =	vst.add.f32.msk $0xffff, v21  }
0x6c: {  	[tilespmem:s4+$0xA0] =	vst.add.f32.msk $0xffff, v22  }
0x6d: {  	[tilespmem:s4+$0x90] =	vst.add.f32.msk $0xffff, v23  }
0x6e: {  	[tilespmem:s4+$0x80] =	vst.add.f32.msk $0xffff, v16  }
0x6f: {  	[tilespmem:s4+$0x70] =	vst.add.f32.msk $0xffff, v17  }
.Ltmp0:
0x70: {  	[tilespmem:s4+$0x60] =	vst.add.f32.msk $0xffff, v18;
	(pc) =	sbr.rel @p0 .LBB2_2-.Ltmp0, $4  }
0x71: {  	[tilespmem:s4+$0x50] =	vst.add.f32.msk $0xffff, v19  }
0x72: {  	[tilespmem:s4+$0x40] =	vst.add.f32.msk $0xffff, v20  }
0x73: {  	[tilespmem:s4+$0x30] =	vst.add.f32.msk $0xffff, v21  }
0x74: {  	[tilespmem:s4+$0x20] =	vst.add.f32.msk $0xffff, v22  }
0x75: {  	[tilespmem:s4+$0x10] =	vst.add.f32.msk $0xffff, v23  }
0x76: {  	[hbm4b:s11+s7] =	stream.linear.scatter [tilespmem:s26], [sflag:$0x4], $0x8000, $0x38;
	[tilespmem:$0x18500] =	vst v63  }
0x77: {  	_ =	swait.ge [sflag:s28], $0x8000  }
0x78: {  	[sflag:s28] =	ssyncset.done $0x0  }
0x79: {  	[sflag:s28] =	ssyncadd.s32 $0xFFFF8000  }
0x7a: {  	[tilespmem:s7], [sflag:$0x7] =	stream.linear.gather [hbm4b:s12+s7], $0x100, $0x38;
	[tilespmem:$0x18500] =	vst v63  }
0x7b: {  	_ =	swait.ge [sflag:s18], $0x100  }
0x7c: {  	[sflag:s18] =	ssyncset.done $0x0  }
0x7d: {  	[sflag:s18] =	ssyncadd.s32 $0xFFFFFF00  }
0x7e: {  	[tilespmem:s26], [sflag:$0x1] =	stream.indirect.gather [hbm4b:s2+s21], $0x80, s7, s21, $0xb8;
	[tilespmem:$0x18500] =	vst v63  }
0x7f: {  	_ =	swait.ge [sflag:s29], $0x8000  }
0x80: {  	[sflag:s29] =	ssyncset.done $0x0  }
0x81: {  	s3 =	simm.s32 $0x8300;
	[sflag:s29] =	ssyncadd.s32 $0xFFFF8000  }
0x82: {  	[tilespmem:s3+$0x0] =	vst.add.f32.msk $0xffff, v16  }
0x83: {  	[tilespmem:s3+$0xF0] =	vst.add.f32.msk $0xffff, v17  }
0x84: {  	[tilespmem:s3+$0xE0] =	vst.add.f32.msk $0xffff, v18  }
0x85: {  	[tilespmem:s3+$0xD0] =	vst.add.f32.msk $0xffff, v19  }
0x86: {  	[tilespmem:s3+$0xC0] =	vst.add.f32.msk $0xffff, v20  }
0x87: {  	[tilespmem:s3+$0xB0] =	vst.add.f32.msk $0xffff, v21  }
0x88: {  	[tilespmem:s3+$0xA0] =	vst.add.f32.msk $0xffff, v22  }
0x89: {  	[tilespmem:s3+$0x90] =	vst.add.f32.msk $0xffff, v23  }
0x8a: {  	[tilespmem:s3+$0x80] =	vst.add.f32.msk $0xffff, v16  }
0x8b: {  	[tilespmem:s3+$0x70] =	vst.add.f32.msk $0xffff, v17  }
0x8c: {  	[tilespmem:s3+$0x60] =	vst.add.f32.msk $0xffff, v18  }
0x8d: {  	[tilespmem:s3+$0x50] =	vst.add.f32.msk $0xffff, v19  }
0x8e: {  	[tilespmem:s3+$0x40] =	vst.add.f32.msk $0xffff, v20  }
0x8f: {  	[tilespmem:s3+$0x30] =	vst.add.f32.msk $0xffff, v21  }
0x90: {  	s4 =	simm.s32 $0x0;
	[tilespmem:s3+$0x20] =	vst.add.f32.msk $0xffff, v22  }
.LBB2_4:
0x91: {  	s4 =	sadd.s32 $0x2, s4;
	[tilespmem:s3+$0x10] =	vst.add.f32.msk $0xffff, v23;
	s3 =	sadd.s32 $0x100, s3  }
0x92: {  	[tilespmem:s3+$0x0] =	vst.add.f32.msk $0xffff, v16;
	p0 =	slt.u32 s4, $0xFE  }
0x93: {  	[tilespmem:s3+$0xF0] =	vst.add.f32.msk $0xffff, v17  }
0x94: {  	[tilespmem:s3+$0xE0] =	vst.add.f32.msk $0xffff, v18  }
0x95: {  	[tilespmem:s3+$0xD0] =	vst.add.f32.msk $0xffff, v19  }
0x96: {  	[tilespmem:s3+$0xC0] =	vst.add.f32.msk $0xffff, v20  }
0x97: {  	[tilespmem:s3+$0xB0] =	vst.add.f32.msk $0xffff, v21  }
0x98: {  	[tilespmem:s3+$0xA0] =	vst.add.f32.msk $0xffff, v22  }
0x99: {  	[tilespmem:s3+$0x90] =	vst.add.f32.msk $0xffff, v23  }
0x9a: {  	[tilespmem:s3+$0x80] =	vst.add.f32.msk $0xffff, v16  }
0x9b: {  	[tilespmem:s3+$0x70] =	vst.add.f32.msk $0xffff, v17  }
.Ltmp1:
0x9c: {  	[tilespmem:s3+$0x60] =	vst.add.f32.msk $0xffff, v18;
	(pc) =	sbr.rel @p0 .LBB2_4-.Ltmp1, $4  }
0x9d: {  	[tilespmem:s3+$0x50] =	vst.add.f32.msk $0xffff, v19  }
0x9e: {  	[tilespmem:s3+$0x40] =	vst.add.f32.msk $0xffff, v20  }
0x9f: {  	[tilespmem:s3+$0x30] =	vst.add.f32.msk $0xffff, v21  }
0xa0: {  	[tilespmem:s3+$0x20] =	vst.add.f32.msk $0xffff, v22  }
0xa1: {  	[tilespmem:s3+$0x10] =	vst.add.f32.msk $0xffff, v23  }
0xa2: {  	[hbm4b:s13+s7] =	stream.linear.scatter [tilespmem:s22], [sflag:$0x5], $0x8000, $0x38;
	[tilespmem:$0x18500] =	vst v63  }
0xa3: {  	_ =	swait.ge [sflag:s30], $0x8000  }
0xa4: {  	v7 =	vadd.f32 v9, v7;
	[sflag:s30] =	ssyncset.done $0x0  }
0xa5: {  	v9 =	vadd.f32 v15, v14;
	s3 =	simm.s32 $0x10300;
	[sflag:s30] =	ssyncadd.s32 $0xFFFF8000  }
0xa6: {  	v12 =	vadd.f32 v13, v12;
	[tilespmem:s3+$0x0] =	vst.add.f32.msk $0xffff, v7  }
0xa7: {  	v10 =	vadd.f32 v11, v10;
	[tilespmem:s3+$0xF0] =	vst.add.f32.msk $0xffff, v9  }
0xa8: {  	v6 =	vadd.f32 v8, v6;
	[tilespmem:s3+$0xE0] =	vst.add.f32.msk $0xffff, v12  }
0xa9: {  	v4 =	vadd.f32 v5, v4;
	[tilespmem:s3+$0xD0] =	vst.add.f32.msk $0xffff, v10  }
0xaa: {  	v2 =	vadd.f32 v3, v2;
	[tilespmem:s3+$0xC0] =	vst.add.f32.msk $0xffff, v6  }
0xab: {  	v0 =	vadd.f32 v1, v0;
	[tilespmem:s3+$0xB0] =	vst.add.f32.msk $0xffff, v4  }
0xac: {  	[tilespmem:s3+$0xA0] =	vst.add.f32.msk $0xffff, v2  }
0xad: {  	[tilespmem:s3+$0x90] =	vst.add.f32.msk $0xffff, v0  }
0xae: {  	[tilespmem:s3+$0x80] =	vst.add.f32.msk $0xffff, v7  }
0xaf: {  	[tilespmem:s3+$0x70] =	vst.add.f32.msk $0xffff, v9  }
0xb0: {  	[tilespmem:s3+$0x60] =	vst.add.f32.msk $0xffff, v12  }
0xb1: {  	[tilespmem:s3+$0x50] =	vst.add.f32.msk $0xffff, v10  }
0xb2: {  	[tilespmem:s3+$0x40] =	vst.add.f32.msk $0xffff, v6  }
0xb3: {  	[tilespmem:s3+$0x30] =	vst.add.f32.msk $0xffff, v4  }
0xb4: {  	s4 =	simm.s32 $0x0;
	[tilespmem:s3+$0x20] =	vst.add.f32.msk $0xffff, v2  }
.LBB2_6:
0xb5: {  	s4 =	sadd.s32 $0x2, s4;
	[tilespmem:s3+$0x10] =	vst.add.f32.msk $0xffff, v0;
	s3 =	sadd.s32 $0x100, s3  }
0xb6: {  	[tilespmem:s3+$0x0] =	vst.add.f32.msk $0xffff, v7;
	p0 =	slt.u32 s4, $0xFE  }
0xb7: {  	[tilespmem:s3+$0xF0] =	vst.add.f32.msk $0xffff, v9  }
0xb8: {  	[tilespmem:s3+$0xE0] =	vst.add.f32.msk $0xffff, v12  }
0xb9: {  	[tilespmem:s3+$0xD0] =	vst.add.f32.msk $0xffff, v10  }
0xba: {  	[tilespmem:s3+$0xC0] =	vst.add.f32.msk $0xffff, v6  }
0xbb: {  	[tilespmem:s3+$0xB0] =	vst.add.f32.msk $0xffff, v4  }
0xbc: {  	[tilespmem:s3+$0xA0] =	vst.add.f32.msk $0xffff, v2  }
0xbd: {  	[tilespmem:s3+$0x90] =	vst.add.f32.msk $0xffff, v0  }
0xbe: {  	[tilespmem:s3+$0x80] =	vst.add.f32.msk $0xffff, v7  }
0xbf: {  	[tilespmem:s3+$0x70] =	vst.add.f32.msk $0xffff, v9  }
.Ltmp2:
0xc0: {  	[tilespmem:s3+$0x60] =	vst.add.f32.msk $0xffff, v12;
	(pc) =	sbr.rel @p0 .LBB2_6-.Ltmp2, $4  }
0xc1: {  	[tilespmem:s3+$0x50] =	vst.add.f32.msk $0xffff, v10  }
0xc2: {  	[tilespmem:s3+$0x40] =	vst.add.f32.msk $0xffff, v6  }
0xc3: {  	[tilespmem:s3+$0x30] =	vst.add.f32.msk $0xffff, v4  }
0xc4: {  	[tilespmem:s3+$0x20] =	vst.add.f32.msk $0xffff, v2  }
0xc5: {  	[tilespmem:s3+$0x10] =	vst.add.f32.msk $0xffff, v0  }
0xc6: {  	[hbm4b:s14+s7] =	stream.linear.scatter [tilespmem:s24], [sflag:$0x6], $0x8000, $0x38;
	[tilespmem:$0x18500] =	vst v63  }
0xc7: {  	_ =	swait.ge [sflag:s25], $0x8000  }
0xc8: {  	[sflag:s25] =	ssyncset.done $0x0  }
0xc9: {  	s3 =	simm.s32 $0x300;
	[sflag:s25] =	ssyncadd.s32 $0xFFFF8000  }
0xca: {  	[tilespmem:s3+$0x0] =	vst.add.f32.msk $0xffff, v7  }
0xcb: {  	[tilespmem:s3+$0xF0] =	vst.add.f32.msk $0xffff, v9  }
0xcc: {  	[tilespmem:s3+$0xE0] =	vst.add.f32.msk $0xffff, v12  }
0xcd: {  	[tilespmem:s3+$0xD0] =	vst.add.f32.msk $0xffff, v10  }
0xce: {  	[tilespmem:s3+$0xC0] =	vst.add.f32.msk $0xffff, v6  }
0xcf: {  	[tilespmem:s3+$0xB0] =	vst.add.f32.msk $0xffff, v4  }
0xd0: {  	[tilespmem:s3+$0xA0] =	vst.add.f32.msk $0xffff, v2  }
0xd1: {  	[tilespmem:s3+$0x90] =	vst.add.f32.msk $0xffff, v0  }
0xd2: {  	[tilespmem:s3+$0x80] =	vst.add.f32.msk $0xffff, v7  }
0xd3: {  	[tilespmem:s3+$0x70] =	vst.add.f32.msk $0xffff, v9  }
0xd4: {  	[tilespmem:s3+$0x60] =	vst.add.f32.msk $0xffff, v12  }
0xd5: {  	[tilespmem:s3+$0x50] =	vst.add.f32.msk $0xffff, v10  }
0xd6: {  	[tilespmem:s3+$0x40] =	vst.add.f32.msk $0xffff, v6  }
0xd7: {  	[tilespmem:s3+$0x30] =	vst.add.f32.msk $0xffff, v4  }
0xd8: {  	s4 =	simm.s32 $0x0;
	[tilespmem:s3+$0x20] =	vst.add.f32.msk $0xffff, v2  }
.LBB2_8:
0xd9: {  	s4 =	sadd.s32 $0x2, s4;
	[tilespmem:s3+$0x10] =	vst.add.f32.msk $0xffff, v0;
	s3 =	sadd.s32 $0x100, s3  }
0xda: {  	[tilespmem:s3+$0x0] =	vst.add.f32.msk $0xffff, v7;
	p0 =	slt.u32 s4, $0xFE  }
0xdb: {  	[tilespmem:s3+$0xF0] =	vst.add.f32.msk $0xffff, v9  }
0xdc: {  	[tilespmem:s3+$0xE0] =	vst.add.f32.msk $0xffff, v12  }
0xdd: {  	[tilespmem:s3+$0xD0] =	vst.add.f32.msk $0xffff, v10  }
0xde: {  	[tilespmem:s3+$0xC0] =	vst.add.f32.msk $0xffff, v6  }
0xdf: {  	[tilespmem:s3+$0xB0] =	vst.add.f32.msk $0xffff, v4  }
0xe0: {  	[tilespmem:s3+$0xA0] =	vst.add.f32.msk $0xffff, v2  }
0xe1: {  	[tilespmem:s3+$0x90] =	vst.add.f32.msk $0xffff, v0  }
0xe2: {  	[tilespmem:s3+$0x80] =	vst.add.f32.msk $0xffff, v7  }
0xe3: {  	[tilespmem:s3+$0x70] =	vst.add.f32.msk $0xffff, v9  }
.Ltmp3:
0xe4: {  	[tilespmem:s3+$0x60] =	vst.add.f32.msk $0xffff, v12;
	(pc) =	sbr.rel @p0 .LBB2_8-.Ltmp3, $4  }
0xe5: {  	[tilespmem:s3+$0x50] =	vst.add.f32.msk $0xffff, v10  }
0xe6: {  	[tilespmem:s3+$0x40] =	vst.add.f32.msk $0xffff, v6  }
0xe7: {  	[tilespmem:s3+$0x30] =	vst.add.f32.msk $0xffff, v4  }
0xe8: {  	[tilespmem:s3+$0x20] =	vst.add.f32.msk $0xffff, v2  }
0xe9: {  	[tilespmem:s3+$0x10] =	vst.add.f32.msk $0xffff, v0  }
0xea: {  	[hbm4b:s15+s7] =	stream.linear.scatter [tilespmem:s26], [sflag:$0x4], $0x8000, $0x38;
	[tilespmem:$0x18500] =	vst v63  }
0xeb: {  	_ =	swait.ge [sflag:s28], $0x8000  }
0xec: {  	[sflag:s28] =	ssyncset.done $0x0  }
0xed: {  	s6 =	sadd.s32 $0x1, s6;
	[sflag:s28] =	ssyncadd.s32 $0xFFFF8000  }
0xee: {  	p0 =	sne.s32 s6, s16;
	_ =	swait.ge [sflag:s31], $0x8000  }
.Ltmp4:
0xef: {  	[sflag:s31] =	ssyncset.done $0x0;
	(pc) =	sbr.rel @p0 .LBB2_1-.Ltmp4, $4  }
0xf0: {  	[sflag:s31] =	ssyncadd.s32 $0xFFFF8000  }
0xf1: {  	_ =	swait.ge [sflag:s0], $0x8000  }
0xf2: {  	[sflag:s0] =	ssyncset.done $0x0  }
0xf3: {  	[sflag:s0] =	ssyncadd.s32 $0xFFFF8000  }
0xf4: {  	_ =	sfence.sel $0x180000  }
0xf5: {  	[bflag:$0x0] =	sbarrier.arrive $0xFFFF  }
0xf6: {  	_ =	strace $0x90000047  }
0xf7: {  	s0 =	stileid.u32;
	[bflag:$0x2] =	sbarrier.arrive $0xFFFF  }
0xf8: {  	p0 =	sne.s32 s0, $0x0;
	s0 =	rddreg [dreg:$0x8]  }
0xf9: {  	s0 =	sadd.s32 @!p0 $0x100000, s0  }
0xfa: {  	[sflag:s0] =	ssyncadd.tile.s32 @!p0 $0x1;
	_ =	shalt  }
.Lfunc_end2:
_tile_overlayer_lowered:
.L_overlay_start_2:
0xfb: {  	(tag) =	ssettag $0x2  }
0xfc: {  	s0 =	rddreg [dreg:$0x0];
	s2 =	stileid.u32  }
0xfd: {  	s1 =	rddreg [dreg:$0x1];
	p0 =	sne.s32 s2, $0x0  }
0xfe: {  	s3 =	rddreg [dreg:$0x2];
	[bflag:$0x3] =	sbarrier.arrive $0xFFFF;
	s2 =	simm.s32 @!p0 $0x1C07  }
0xff: {  	[timem:s3], [sflag:s2] =	dma.local @!p0 [hbm:s0], s1  }
0x100: {  	s0 =	simm.s32 @!p0 $0x7  }
0x101: {  	_ =	swait.ge @!p0 [sflag:s0], s1  }
0x102: {  	s1 =	ssub.s32 @!p0 $0x0, s1;
	[sflag:s0] =	ssyncset.done @!p0 $0x0  }
0x103: {  	[sflag:s0] =	ssyncadd.s32 @!p0 s1  }
0x104: {  	[bflag:$0x3] =	sbarrier.arrive $0xFFFF  }
0x105: {  	_ =	shalt  }

</sc_bundles>
